<compile_context>
chip_gen: v7x
topology: tpu7x:2x2x1
jax: 0.10.2.dev20260603
libtpu: 0.0.44.dev20260713+nightly
codegen_flags: <defaults>
</compile_context>

<pallas_src>
import functools

import jax
import jax.numpy as jnp
from jax import lax
from jax.experimental import pallas as pl
from jax.experimental.pallas import tpu as pltpu
from jax.experimental.pallas import tpu_sc as plsc

_NC = 2
_NS = 16


@functools.partial(jax.jit, static_argnames=("n", "e", "d"))
def _sc_scatter_add(h, src, dst, *, n, e, d):
    nw = _NC * _NS
    epw = e // nw
    ch = 80
    nch = epw // ch
    assert nch * ch == epw
    NR = 4
    NI = 8
    rpt = (n // _NS) // 8 * 8
    nrem = n - _NS * rpt

    mesh = plsc.VectorSubcoreMesh(core_axis_name="c", subcore_axis_name="s")

    scratch = (
        [pltpu.VMEM((ch,), jnp.int32)] * NI +
        [pltpu.VMEM((ch,), jnp.int32)] * NI +
        [pltpu.VMEM((ch, d), jnp.float32)] * NR +
        [pltpu.VMEM_SHARED((n, d), jnp.float32)] +
        [pltpu.SemaphoreType.DMA] * NR +
        [pltpu.SemaphoreType.DMA] * NI +
        [pltpu.SemaphoreType.DMA] * NR
    )

    @functools.partial(
        pl.kernel,
        out_type=jax.ShapeDtypeStruct((_NC * n, d), jnp.float32),
        mesh=mesh,
        scratch_types=scratch,
    )
    def k(h_hbm, src_hbm, dst_hbm, out_hbm, *refs):
        srcb = refs[0:NI]
        dstb = refs[NI:2 * NI]
        rowsb = refs[2 * NI:2 * NI + NR]
        agg_sh = refs[2 * NI + NR]
        gsem = refs[2 * NI + NR + 1:2 * NI + 2 * NR + 1]
        isem = refs[2 * NI + 2 * NR + 1:3 * NI + 2 * NR + 1]
        ssem = refs[3 * NI + 2 * NR + 1:3 * NI + 3 * NR + 1]
        cid = lax.axis_index("c")
        sid = lax.axis_index("s")
        wid = cid * _NS + sid
        base0 = wid * epw

        def idx_load(c, s):
            base = base0 + c * ch
            pltpu.async_copy(src_hbm.at[pl.ds(base, ch)], srcb[s], isem[s])
            pltpu.async_copy(dst_hbm.at[pl.ds(base, ch)], dstb[s], isem[s])

        def idx_wait(s):
            pltpu.make_async_copy(src_hbm.at[pl.ds(0, ch)], srcb[s],
                                  isem[s]).wait()
            pltpu.make_async_copy(dst_hbm.at[pl.ds(0, ch)], dstb[s],
                                  isem[s]).wait()

        def gather(c_r, c_s):
            pltpu.async_copy(h_hbm.at[srcb[c_s]], rowsb[c_r], gsem[c_r])

        def gather_wait(c_r, c_s):
            pltpu.make_async_copy(h_hbm.at[srcb[c_s]], rowsb[c_r],
                                  gsem[c_r]).wait()

        def drain(c_r, c_s):
            pltpu.make_async_copy(rowsb[c_r], agg_sh.at[dstb[c_s]],
                                  ssem[c_r]).wait()

        def body(c, cm, *, do_drain, do_idx, do_gather):
            r, s = cm % NR, cm % NI
            if do_drain:
                drain((cm + 2) % NR, (cm + 6) % NI)
            if do_idx is None:
                @pl.when(c + 4 < nch)
                def _():
                    idx_load(c + 4, (cm + 4) % NI)
            elif do_idx:
                idx_load(c + 4, (cm + 4) % NI)
            if do_gather:
                idx_wait((cm + 2) % NI)
                gather((cm + 2) % NR, (cm + 2) % NI)
            gather_wait(r, s)
            pltpu.async_copy(rowsb[r], agg_sh.at[dstb[s]], ssem[r], add=True)

        for c0 in range(4):
            idx_load(c0, c0)
        for c0 in range(2):
            idx_wait(c0)
            gather(c0, c0)

        @pl.when(cid == 0)
        def _():
            pltpu.async_copy(h_hbm.at[pl.ds(sid * rpt, rpt)],
                             agg_sh.at[pl.ds(sid * rpt, rpt)], ssem[0])

            @pl.when(sid == _NS - 1)
            def _():
                pltpu.async_copy(h_hbm.at[pl.ds(_NS * rpt, nrem)],
                                 agg_sh.at[pl.ds(_NS * rpt, nrem)], ssem[0])
                pltpu.make_async_copy(
                    h_hbm.at[pl.ds(_NS * rpt, nrem)],
                    agg_sh.at[pl.ds(_NS * rpt, nrem)], ssem[0]).wait()

            pltpu.make_async_copy(h_hbm.at[pl.ds(sid * rpt, rpt)],
                                  agg_sh.at[pl.ds(sid * rpt, rpt)],
                                  ssem[0]).wait()

        @pl.when(cid == 1)
        def _():
            zeros16 = jnp.zeros((16,), jnp.float32)
            zbuf = rowsb[2]

            def zrow(r, _):
                for j in range(d // 16):
                    zbuf[r, pl.ds(j * 16, 16)] = zeros16
                return 0

            lax.fori_loop(0, ch, zrow, 0)
            nfull_z = rpt // ch
            for i in range(nfull_z):
                pltpu.sync_copy(zbuf,
                                agg_sh.at[pl.ds(sid * rpt + i * ch, ch)])
            zrem = rpt - nfull_z * ch
            if zrem:
                pltpu.sync_copy(
                    zbuf.at[pl.ds(0, zrem)],
                    agg_sh.at[pl.ds(sid * rpt + nfull_z * ch, zrem)])

            @pl.when(sid == _NS - 1)
            def _():
                pltpu.sync_copy(zbuf.at[pl.ds(0, nrem)],
                                agg_sh.at[pl.ds(_NS * rpt, nrem)])

        plsc.subcore_barrier()

        body(0, 0, do_drain=False, do_idx=True, do_gather=True)
        body(1, 1, do_drain=False, do_idx=True, do_gather=True)

        def octet(i, _):
            for b in range(8):
                c = 8 * i + 2 + b
                body(c, 2 + b, do_drain=True, do_idx=None, do_gather=True)
            return 0

        lax.fori_loop(0, (nch - 5) // 8, octet, 0)
        body(nch - 3, nch - 3, do_drain=True, do_idx=False, do_gather=True)
        body(nch - 2, nch - 2, do_drain=True, do_idx=False, do_gather=False)
        body(nch - 1, nch - 1, do_drain=True, do_idx=False, do_gather=False)
        drain((nch - 2) % NR, (nch - 2) % NI)
        drain((nch - 1) % NR, (nch - 1) % NI)

        plsc.subcore_barrier()

        pltpu.sync_copy(
            agg_sh.at[pl.ds(sid * rpt, rpt)],
            out_hbm.at[pl.ds(cid * n + sid * rpt, rpt)],
        )

        @pl.when(sid == _NS - 1)
        def _():
            pltpu.sync_copy(
                agg_sh.at[pl.ds(_NS * rpt, nrem)],
                out_hbm.at[pl.ds(cid * n + _NS * rpt, nrem)],
            )

    return k(h, src, dst)


def _tc_layer(agg, batch, p, *, n, d, hdim, g):
    eps = 1e-5

    def body(agg_ref, b_ref, w1, b1, g1, be1, w2, b2, g2, be2,
             hout_ref, pool_ref):
        y = agg_ref[pl.ds(0, n), :] + agg_ref[pl.ds(n, n), :]
        z = jnp.dot(y, w1[...], preferred_element_type=jnp.float32) + b1[...]
        m = jnp.mean(z, axis=0)
        v = jnp.mean(z * z, axis=0) - m * m
        z = g1[...] * (z - m) * lax.rsqrt(v + eps) + be1[...]
        z = jnp.maximum(z, 0.0)
        z = jnp.dot(z, w2[...], preferred_element_type=jnp.float32) + b2[...]
        m2 = jnp.mean(z, axis=0)
        v2 = jnp.mean(z * z, axis=0) - m2 * m2
        z = g2[...] * (z - m2) * lax.rsqrt(v2 + eps) + be2[...]
        hn = jnp.maximum(z, 0.0)
        hout_ref[...] = hn
        seg = lax.broadcasted_iota(jnp.int32, (g, n), 0)
        onehot = (seg == b_ref[...][None, :]).astype(jnp.float32)
        pool_ref[...] = jnp.dot(onehot, hn, preferred_element_type=jnp.float32)

    return pl.pallas_call(
        body,
        out_shape=(
            jax.ShapeDtypeStruct((n, hdim), jnp.float32),
            jax.ShapeDtypeStruct((g, hdim), jnp.float32),
        ),
    )(agg, batch, p["W1"], p["b1"], p["g1"], p["be1"],
      p["W2"], p["b2"], p["g2"], p["be2"])


def kernel(x, edge_index, batch, params):
    n, d = x.shape
    e = edge_index.shape[1]
    g = 64
    src = edge_index[0]
    dst = edge_index[1]
    h = x
    pooled = []
    for p in params:
        hdim = p["W2"].shape[1]
        agg = _sc_scatter_add(h, src, dst, n=n, e=e, d=h.shape[1])
        h, pool = _tc_layer(agg, batch, p, n=n, d=h.shape[1], hdim=hdim, g=g)
        pooled.append(pool)
    return jnp.concatenate(pooled, axis=-1)

# --- scband reference (transcript-rebuilt; emitter-appended) ---
"""Pipeline reference for scband-ginbackbone-36421322670670 (READ-ONLY COPY).

The authoritative reference and input builder live on the scoring server;
editing this copy changes nothing except your own understanding.
"""

import jax, jax.numpy as jnp
import numpy as np

N = 10000
E = 320000
D = 128
H = 128
L = 3
G = 64


def _bn(x, gamma, beta, eps=1e-5):
    m = jnp.mean(x, axis=0)
    v = jnp.var(x, axis=0)
    return gamma * (x - m) / jnp.sqrt(v + eps) + beta


def _forward(x, params, edge_index, batch):
    # PyG GINConv (eps=0): h' = MLP((1+eps)*h + sum_{j in N(i)} h_j)
    src = edge_index[0]
    dst = edge_index[1]
    h = x
    pooled = []
    for p in params:
        agg = jnp.zeros_like(h).at[dst].add(h[src])
        z = h + agg
        # _mlp: Linear -> BatchNorm1d -> ReLU -> Linear
        z = z @ p["W1"] + p["b1"]
        z = _bn(z, p["g1"], p["be1"])
        z = jax.nn.relu(z)
        z = z @ p["W2"] + p["b2"]
        # outer BatchNorm1d then ReLU
        z = _bn(z, p["g2"], p["be2"])
        h = jax.nn.relu(z)
        # global_add_pool per layer
        pooled.append(jax.ops.segment_sum(h, batch, num_segments=G))
    return jnp.concatenate(pooled, axis=-1)


def setup_inputs(seed: int = 0):
    key = jax.random.key(seed)
    k = jax.random.split(key, 3 + L)
    x = jax.random.normal(k[0], (N, D), dtype=jnp.float32)
    edge_index = jax.random.randint(k[1], (2, E), 0, N, dtype=jnp.int32)
    batch = jnp.sort(jax.random.randint(k[2], (N,), 0, G, dtype=jnp.int32))
    params = []
    for l in range(L):
        in_dim = D if l == 0 else H
        kk = jax.random.split(k[3 + l], 2)
        params.append({
            "W1": jax.random.normal(kk[0], (in_dim, H), dtype=jnp.float32) * (1.0 / np.sqrt(in_dim)),
            "b1": jnp.zeros((H,), dtype=jnp.float32),
            "g1": jnp.ones((H,), dtype=jnp.float32),
            "be1": jnp.zeros((H,), dtype=jnp.float32),
            "W2": jax.random.normal(kk[1], (H, H), dtype=jnp.float32) * (1.0 / np.sqrt(H)),
            "b2": jnp.zeros((H,), dtype=jnp.float32),
            "g2": jnp.ones((H,), dtype=jnp.float32),
            "be2": jnp.zeros((H,), dtype=jnp.float32),
        })
    return {"x": x, "edge_index": edge_index, "batch": batch, "params": params}


def reference(x, edge_index, batch, params):
    return _forward(x, params, edge_index, batch)

if __name__ == "__main__":
    import jax
    _d = setup_inputs()
    print(jax.jit(kernel)(*tuple(_d.values())))

</pallas_src>

<mosaic_0001>
#map = affine_map<(d0, d1) -> (0, 0)>
#map1 = affine_map<(d0, d1) -> (0)>
module attributes {stable_mosaic.version = 14 : i64} {
  func.func @k(%arg0: i32, %arg1: i32, %arg2: memref<10000x128xf32, #tpu.memory_space<hbm>>, %arg3: memref<320000xi32, #tpu.memory_space<hbm>>, %arg4: memref<320000xi32, #tpu.memory_space<hbm>>, %arg5: memref<20000x128xf32, #tpu.memory_space<hbm>>, %arg6: memref<80xi32, #tpu.memory_space<vmem>>, %arg7: memref<80xi32, #tpu.memory_space<vmem>>, %arg8: memref<80xi32, #tpu.memory_space<vmem>>, %arg9: memref<80xi32, #tpu.memory_space<vmem>>, %arg10: memref<80xi32, #tpu.memory_space<vmem>>, %arg11: memref<80xi32, #tpu.memory_space<vmem>>, %arg12: memref<80xi32, #tpu.memory_space<vmem>>, %arg13: memref<80xi32, #tpu.memory_space<vmem>>, %arg14: memref<80xi32, #tpu.memory_space<vmem>>, %arg15: memref<80xi32, #tpu.memory_space<vmem>>, %arg16: memref<80xi32, #tpu.memory_space<vmem>>, %arg17: memref<80xi32, #tpu.memory_space<vmem>>, %arg18: memref<80xi32, #tpu.memory_space<vmem>>, %arg19: memref<80xi32, #tpu.memory_space<vmem>>, %arg20: memref<80xi32, #tpu.memory_space<vmem>>, %arg21: memref<80xi32, #tpu.memory_space<vmem>>, %arg22: memref<80x128xf32, #tpu.memory_space<vmem>>, %arg23: memref<80x128xf32, #tpu.memory_space<vmem>>, %arg24: memref<80x128xf32, #tpu.memory_space<vmem>>, %arg25: memref<80x128xf32, #tpu.memory_space<vmem>>, %arg26: memref<10000x128xf32, #tpu.memory_space<vmem_shared>>, %arg27: memref<!tpu.dma_semaphore, #tpu.memory_space<semaphore_mem>>, %arg28: memref<!tpu.dma_semaphore, #tpu.memory_space<semaphore_mem>>, %arg29: memref<!tpu.dma_semaphore, #tpu.memory_space<semaphore_mem>>, %arg30: memref<!tpu.dma_semaphore, #tpu.memory_space<semaphore_mem>>, %arg31: memref<!tpu.dma_semaphore, #tpu.memory_space<semaphore_mem>>, %arg32: memref<!tpu.dma_semaphore, #tpu.memory_space<semaphore_mem>>, %arg33: memref<!tpu.dma_semaphore, #tpu.memory_space<semaphore_mem>>, %arg34: memref<!tpu.dma_semaphore, #tpu.memory_space<semaphore_mem>>, %arg35: memref<!tpu.dma_semaphore, #tpu.memory_space<semaphore_mem>>, %arg36: memref<!tpu.dma_semaphore, #tpu.memory_space<semaphore_mem>>, %arg37: memref<!tpu.dma_semaphore, #tpu.memory_space<semaphore_mem>>, %arg38: memref<!tpu.dma_semaphore, #tpu.memory_space<semaphore_mem>>, %arg39: memref<!tpu.dma_semaphore, #tpu.memory_space<semaphore_mem>>, %arg40: memref<!tpu.dma_semaphore, #tpu.memory_space<semaphore_mem>>, %arg41: memref<!tpu.dma_semaphore, #tpu.memory_space<semaphore_mem>>, %arg42: memref<!tpu.dma_semaphore, #tpu.memory_space<semaphore_mem>>) attributes {dimension_semantics = [#tpu.dimension_semantics<core_parallel>, #tpu.dimension_semantics<subcore_parallel>], iteration_bounds = array<i64: 2, 16>, scalar_prefetch = 0 : i64, scratch_operands = 37 : i64, tpu.core_type = #tpu.core_type<sc_vector_subcore>, window_params = [{transform_indices = #map}, {transform_indices = #map1}, {transform_indices = #map1}, {transform_indices = #map}]} {
    %mul3A = arith.constant 16 : i32
    %mul3A_0 = arith.muli %arg0, %mul3A : i32
    %add3A = arith.addi %mul3A_0, %arg1 : i32
    %mul3A_1 = arith.constant 10000 : i32
    %mul3A_2 = arith.muli %add3A, %mul3A_1 : i32
    %add3A_3 = arith.constant 0 : i32
    %add3A_4 = arith.addi %mul3A_2, %add3A_3 : i32
    %dma_start3A = tpu.memref_slice %arg3[%add3A_4] : memref<320000xi32, #tpu.memory_space<hbm>> -> memref<80xi32, #tpu.memory_space<hbm>>
    %dma_start3A_5 = tpu.memref_slice %arg3[%add3A_4] : memref<320000xi32, #tpu.memory_space<hbm>> -> memref<80xi32, #tpu.memory_space<hbm>>
    tpu.enqueue_dma source(%dma_start3A_5 : memref<80xi32, #tpu.memory_space<hbm>>) target(%arg6 : memref<80xi32, #tpu.memory_space<vmem>>) target_semaphore(%arg31 : memref<!tpu.dma_semaphore, #tpu.memory_space<semaphore_mem>>)
    %dma_start3A_6 = tpu.memref_slice %arg4[%add3A_4] : memref<320000xi32, #tpu.memory_space<hbm>> -> memref<80xi32, #tpu.memory_space<hbm>>
    %dma_start3A_7 = tpu.memref_slice %arg4[%add3A_4] : memref<320000xi32, #tpu.memory_space<hbm>> -> memref<80xi32, #tpu.memory_space<hbm>>
    tpu.enqueue_dma source(%dma_start3A_7 : memref<80xi32, #tpu.memory_space<hbm>>) target(%arg14 : memref<80xi32, #tpu.memory_space<vmem>>) target_semaphore(%arg31 : memref<!tpu.dma_semaphore, #tpu.memory_space<semaphore_mem>>)
    %add3A_8 = arith.constant 80 : i32
    %add3A_9 = arith.addi %mul3A_2, %add3A_8 : i32
    %dma_start3A_10 = tpu.memref_slice %arg3[%add3A_9] : memref<320000xi32, #tpu.memory_space<hbm>> -> memref<80xi32, #tpu.memory_space<hbm>>
    %dma_start3A_11 = tpu.memref_slice %arg3[%add3A_9] : memref<320000xi32, #tpu.memory_space<hbm>> -> memref<80xi32, #tpu.memory_space<hbm>>
    tpu.enqueue_dma source(%dma_start3A_11 : memref<80xi32, #tpu.memory_space<hbm>>) target(%arg7 : memref<80xi32, #tpu.memory_space<vmem>>) target_semaphore(%arg32 : memref<!tpu.dma_semaphore, #tpu.memory_space<semaphore_mem>>)
    %dma_start3A_12 = tpu.memref_slice %arg4[%add3A_9] : memref<320000xi32, #tpu.memory_space<hbm>> -> memref<80xi32, #tpu.memory_space<hbm>>
    %dma_start3A_13 = tpu.memref_slice %arg4[%add3A_9] : memref<320000xi32, #tpu.memory_space<hbm>> -> memref<80xi32, #tpu.memory_space<hbm>>
    tpu.enqueue_dma source(%dma_start3A_13 : memref<80xi32, #tpu.memory_space<hbm>>) target(%arg15 : memref<80xi32, #tpu.memory_space<vmem>>) target_semaphore(%arg32 : memref<!tpu.dma_semaphore, #tpu.memory_space<semaphore_mem>>)
    %add3A_14 = arith.constant 160 : i32
    %add3A_15 = arith.addi %mul3A_2, %add3A_14 : i32
    %dma_start3A_16 = tpu.memref_slice %arg3[%add3A_15] : memref<320000xi32, #tpu.memory_space<hbm>> -> memref<80xi32, #tpu.memory_space<hbm>>
    %dma_start3A_17 = tpu.memref_slice %arg3[%add3A_15] : memref<320000xi32, #tpu.memory_space<hbm>> -> memref<80xi32, #tpu.memory_space<hbm>>
    tpu.enqueue_dma source(%dma_start3A_17 : memref<80xi32, #tpu.memory_space<hbm>>) target(%arg8 : memref<80xi32, #tpu.memory_space<vmem>>) target_semaphore(%arg33 : memref<!tpu.dma_semaphore, #tpu.memory_space<semaphore_mem>>)
    %dma_start3A_18 = tpu.memref_slice %arg4[%add3A_15] : memref<320000xi32, #tpu.memory_space<hbm>> -> memref<80xi32, #tpu.memory_space<hbm>>
    %dma_start3A_19 = tpu.memref_slice %arg4[%add3A_15] : memref<320000xi32, #tpu.memory_space<hbm>> -> memref<80xi32, #tpu.memory_space<hbm>>
    tpu.enqueue_dma source(%dma_start3A_19 : memref<80xi32, #tpu.memory_space<hbm>>) target(%arg16 : memref<80xi32, #tpu.memory_space<vmem>>) target_semaphore(%arg33 : memref<!tpu.dma_semaphore, #tpu.memory_space<semaphore_mem>>)
    %add3A_20 = arith.constant 240 : i32
    %add3A_21 = arith.addi %mul3A_2, %add3A_20 : i32
    %dma_start3A_22 = tpu.memref_slice %arg3[%add3A_21] : memref<320000xi32, #tpu.memory_space<hbm>> -> memref<80xi32, #tpu.memory_space<hbm>>
    %dma_start3A_23 = tpu.memref_slice %arg3[%add3A_21] : memref<320000xi32, #tpu.memory_space<hbm>> -> memref<80xi32, #tpu.memory_space<hbm>>
    tpu.enqueue_dma source(%dma_start3A_23 : memref<80xi32, #tpu.memory_space<hbm>>) target(%arg9 : memref<80xi32, #tpu.memory_space<vmem>>) target_semaphore(%arg34 : memref<!tpu.dma_semaphore, #tpu.memory_space<semaphore_mem>>)
    %dma_start3A_24 = tpu.memref_slice %arg4[%add3A_21] : memref<320000xi32, #tpu.memory_space<hbm>> -> memref<80xi32, #tpu.memory_space<hbm>>
    %dma_start3A_25 = tpu.memref_slice %arg4[%add3A_21] : memref<320000xi32, #tpu.memory_space<hbm>> -> memref<80xi32, #tpu.memory_space<hbm>>
    tpu.enqueue_dma source(%dma_start3A_25 : memref<80xi32, #tpu.memory_space<hbm>>) target(%arg17 : memref<80xi32, #tpu.memory_space<vmem>>) target_semaphore(%arg34 : memref<!tpu.dma_semaphore, #tpu.memory_space<semaphore_mem>>)
    %dma_wait3A = arith.constant 0 : i32
    %dma_wait3A_26 = tpu.memref_slice %arg3[%dma_wait3A] : memref<320000xi32, #tpu.memory_space<hbm>> -> memref<80xi32, #tpu.memory_space<hbm>>
    %dma_wait3A_27 = arith.constant 0 : i32
    %dma_wait3A_28 = tpu.memref_slice %arg3[%dma_wait3A_27] : memref<320000xi32, #tpu.memory_space<hbm>> -> memref<80xi32, #tpu.memory_space<hbm>>
    tpu.wait_dma2 semaphore(%arg31 : memref<!tpu.dma_semaphore, #tpu.memory_space<semaphore_mem>>) src(%dma_wait3A_28 : memref<80xi32, #tpu.memory_space<hbm>>) dst(%arg6 : memref<80xi32, #tpu.memory_space<vmem>>)
    %dma_wait3A_29 = arith.constant 0 : i32
    %dma_wait3A_30 = tpu.memref_slice %arg4[%dma_wait3A_29] : memref<320000xi32, #tpu.memory_space<hbm>> -> memref<80xi32, #tpu.memory_space<hbm>>
    %dma_wait3A_31 = arith.constant 0 : i32
    %dma_wait3A_32 = tpu.memref_slice %arg4[%dma_wait3A_31] : memref<320000xi32, #tpu.memory_space<hbm>> -> memref<80xi32, #tpu.memory_space<hbm>>
    tpu.wait_dma2 semaphore(%arg31 : memref<!tpu.dma_semaphore, #tpu.memory_space<semaphore_mem>>) src(%dma_wait3A_32 : memref<80xi32, #tpu.memory_space<hbm>>) dst(%arg14 : memref<80xi32, #tpu.memory_space<vmem>>)
    %dma_start3A_33 = arith.constant 0 : i32
    %dma_start3A_34 = arith.constant 0 : i32
    %dma_start3A_35 = tpu.memref_slice %arg2[%dma_start3A_33, %dma_start3A_34] : memref<10000x128xf32, #tpu.memory_space<hbm>> -> memref<10000x128xf32, #tpu.memory_space<hbm>>
    tpu.enqueue_indirect_dma source(%dma_start3A_35 : memref<10000x128xf32, #tpu.memory_space<hbm>>) target(%arg22 : memref<80x128xf32, #tpu.memory_space<vmem>>) offsets(%arg6 : memref<80xi32, #tpu.memory_space<vmem>>) semaphore(%arg27 : memref<!tpu.dma_semaphore, #tpu.memory_space<semaphore_mem>>)
    %dma_wait3A_36 = arith.constant 0 : i32
    %dma_wait3A_37 = tpu.memref_slice %arg3[%dma_wait3A_36] : memref<320000xi32, #tpu.memory_space<hbm>> -> memref<80xi32, #tpu.memory_space<hbm>>
    %dma_wait3A_38 = arith.constant 0 : i32
    %dma_wait3A_39 = tpu.memref_slice %arg3[%dma_wait3A_38] : memref<320000xi32, #tpu.memory_space<hbm>> -> memref<80xi32, #tpu.memory_space<hbm>>
    tpu.wait_dma2 semaphore(%arg32 : memref<!tpu.dma_semaphore, #tpu.memory_space<semaphore_mem>>) src(%dma_wait3A_39 : memref<80xi32, #tpu.memory_space<hbm>>) dst(%arg7 : memref<80xi32, #tpu.memory_space<vmem>>)
    %dma_wait3A_40 = arith.constant 0 : i32
    %dma_wait3A_41 = tpu.memref_slice %arg4[%dma_wait3A_40] : memref<320000xi32, #tpu.memory_space<hbm>> -> memref<80xi32, #tpu.memory_space<hbm>>
    %dma_wait3A_42 = arith.constant 0 : i32
    %dma_wait3A_43 = tpu.memref_slice %arg4[%dma_wait3A_42] : memref<320000xi32, #tpu.memory_space<hbm>> -> memref<80xi32, #tpu.memory_space<hbm>>
    tpu.wait_dma2 semaphore(%arg32 : memref<!tpu.dma_semaphore, #tpu.memory_space<semaphore_mem>>) src(%dma_wait3A_43 : memref<80xi32, #tpu.memory_space<hbm>>) dst(%arg15 : memref<80xi32, #tpu.memory_space<vmem>>)
    %dma_start3A_44 = arith.constant 0 : i32
    %dma_start3A_45 = arith.constant 0 : i32
    %dma_start3A_46 = tpu.memref_slice %arg2[%dma_start3A_44, %dma_start3A_45] : memref<10000x128xf32, #tpu.memory_space<hbm>> -> memref<10000x128xf32, #tpu.memory_space<hbm>>
    tpu.enqueue_indirect_dma source(%dma_start3A_46 : memref<10000x128xf32, #tpu.memory_space<hbm>>) target(%arg23 : memref<80x128xf32, #tpu.memory_space<vmem>>) offsets(%arg7 : memref<80xi32, #tpu.memory_space<vmem>>) semaphore(%arg28 : memref<!tpu.dma_semaphore, #tpu.memory_space<semaphore_mem>>)
    %eq3A = arith.constant 0 : i32
    %eq3A_47 = arith.cmpi eq, %arg0, %eq3A : i32
    %convert_element_type3A = arith.extui %eq3A_47 : i1 to i32
    %cond3A = arith.constant 0 : i32
    %cond3A_48 = arith.cmpi ne, %convert_element_type3A, %cond3A : i32
    scf.if %cond3A_48 {
      %mul3A_163 = arith.constant 624 : i32
      %mul3A_164 = arith.muli %arg1, %mul3A_163 : i32
      %mul3A_165 = arith.constant 624 : i32
      %mul3A_166 = arith.muli %arg1, %mul3A_165 : i32
      %dma_start3A_167 = arith.constant 0 : i32
      %dma_start3A_168 = tpu.memref_slice %arg26[%mul3A_166, %dma_start3A_167] : memref<10000x128xf32, #tpu.memory_space<vmem_shared>> -> memref<624x128xf32, #tpu.memory_space<vmem_shared>>
      %dma_start3A_169 = arith.constant 0 : i32
      %dma_start3A_170 = tpu.memref_slice %arg2[%mul3A_164, %dma_start3A_169] : memref<10000x128xf32, #tpu.memory_space<hbm>> -> memref<624x128xf32, #tpu.memory_space<hbm>>
      tpu.enqueue_dma source(%dma_start3A_170 : memref<624x128xf32, #tpu.memory_space<hbm>>) target(%dma_start3A_168 : memref<624x128xf32, #tpu.memory_space<vmem_shared>>) target_semaphore(%arg39 : memref<!tpu.dma_semaphore, #tpu.memory_space<semaphore_mem>>)
      %eq3A_171 = arith.constant 15 : i32
      %eq3A_172 = arith.cmpi eq, %arg1, %eq3A_171 : i32
      %convert_element_type3A_173 = arith.extui %eq3A_172 : i1 to i32
      %cond3A_174 = arith.constant 0 : i32
      %cond3A_175 = arith.cmpi ne, %convert_element_type3A_173, %cond3A_174 : i32
      scf.if %cond3A_175 {
        %dma_start3A_184 = arith.constant 9984 : i32
        %dma_start3A_185 = arith.constant 0 : i32
        %dma_start3A_186 = tpu.memref_slice %arg26[%dma_start3A_184, %dma_start3A_185] : memref<10000x128xf32, #tpu.memory_space<vmem_shared>> -> memref<16x128xf32, #tpu.memory_space<vmem_shared>>
        %dma_start3A_187 = arith.constant 9984 : i32
        %dma_start3A_188 = arith.constant 0 : i32
        %dma_start3A_189 = tpu.memref_slice %arg2[%dma_start3A_187, %dma_start3A_188] : memref<10000x128xf32, #tpu.memory_space<hbm>> -> memref<16x128xf32, #tpu.memory_space<hbm>>
        tpu.enqueue_dma source(%dma_start3A_189 : memref<16x128xf32, #tpu.memory_space<hbm>>) target(%dma_start3A_186 : memref<16x128xf32, #tpu.memory_space<vmem_shared>>) target_semaphore(%arg39 : memref<!tpu.dma_semaphore, #tpu.memory_space<semaphore_mem>>)
        %dma_wait3A_190 = arith.constant 9984 : i32
        %dma_wait3A_191 = arith.constant 0 : i32
        %dma_wait3A_192 = tpu.memref_slice %arg26[%dma_wait3A_190, %dma_wait3A_191] : memref<10000x128xf32, #tpu.memory_space<vmem_shared>> -> memref<16x128xf32, #tpu.memory_space<vmem_shared>>
        %dma_wait3A_193 = arith.constant 9984 : i32
        %dma_wait3A_194 = arith.constant 0 : i32
        %dma_wait3A_195 = tpu.memref_slice %arg2[%dma_wait3A_193, %dma_wait3A_194] : memref<10000x128xf32, #tpu.memory_space<hbm>> -> memref<16x128xf32, #tpu.memory_space<hbm>>
        tpu.wait_dma2 semaphore(%arg39 : memref<!tpu.dma_semaphore, #tpu.memory_space<semaphore_mem>>) src(%dma_wait3A_195 : memref<16x128xf32, #tpu.memory_space<hbm>>) dst(%dma_wait3A_192 : memref<16x128xf32, #tpu.memory_space<vmem_shared>>)
      } else {
      }
      %mul3A_176 = arith.constant 624 : i32
      %mul3A_177 = arith.muli %arg1, %mul3A_176 : i32
      %mul3A_178 = arith.constant 624 : i32
      %mul3A_179 = arith.muli %arg1, %mul3A_178 : i32
      %dma_wait3A_180 = arith.constant 0 : i32
      %dma_wait3A_181 = tpu.memref_slice %arg26[%mul3A_179, %dma_wait3A_180] : memref<10000x128xf32, #tpu.memory_space<vmem_shared>> -> memref<624x128xf32, #tpu.memory_space<vmem_shared>>
      %dma_wait3A_182 = arith.constant 0 : i32
      %dma_wait3A_183 = tpu.memref_slice %arg2[%mul3A_177, %dma_wait3A_182] : memref<10000x128xf32, #tpu.memory_space<hbm>> -> memref<624x128xf32, #tpu.memory_space<hbm>>
      tpu.wait_dma2 semaphore(%arg39 : memref<!tpu.dma_semaphore, #tpu.memory_space<semaphore_mem>>) src(%dma_wait3A_183 : memref<624x128xf32, #tpu.memory_space<hbm>>) dst(%dma_wait3A_181 : memref<624x128xf32, #tpu.memory_space<vmem_shared>>)
    } else {
    }
    %eq3A_49 = arith.constant 1 : i32
    %eq3A_50 = arith.cmpi eq, %arg0, %eq3A_49 : i32
    %convert_element_type3A_51 = arith.extui %eq3A_50 : i1 to i32
    %cond3A_52 = arith.constant 0 : i32
    %cond3A_53 = arith.cmpi ne, %convert_element_type3A_51, %cond3A_52 : i32
    scf.if %cond3A_53 {
      %broadcast_in_dim3A = arith.constant 0.000000e+00 : f32
      %broadcast_in_dim3A_163 = vector.broadcast %broadcast_in_dim3A : f32 to vector<16xf32>
      %scan3A_164 = arith.constant 0 : i32
      %scan3A_165 = arith.constant 0 : i32
      %scan3A_166 = arith.constant 80 : i32
      %scan3A_167 = arith.addi %scan3A_165, %scan3A_166 : i32
      %scan3A_168 = arith.constant 1 : i32
      %scan3A_169 = scf.for %scan3A_208 = %scan3A_165 to %scan3A_167 step %scan3A_168 iter_args(%scan3A_209 = %scan3A_164) -> (i32)  : i32 {
        %swap3A = arith.index_cast %scan3A_208 : i32 to index
        %swap3A_210 = arith.constant 0 : index
        %swap3A_211 = tpu.vector_load %arg24[%swap3A, %swap3A_210] {strides = array<i32>} : memref<80x128xf32, #tpu.memory_space<vmem>>, vector<1x16xf32>,
        %swap3A_212 = vector.shape_cast %swap3A_211 : vector<1x16xf32> to vector<16xf32>
        %swap3A_213 = vector.shape_cast %broadcast_in_dim3A_163 : vector<16xf32> to vector<1x16xf32>
        tpu.vector_store %arg24[%swap3A, %swap3A_210], %swap3A_213 {strides = array<i32>} : memref<80x128xf32, #tpu.memory_space<vmem>>, vector<1x16xf32>,
        %swap3A_214 = arith.index_cast %scan3A_208 : i32 to index
        %swap3A_215 = arith.constant 16 : index
        %swap3A_216 = tpu.vector_load %arg24[%swap3A_214, %swap3A_215] {strides = array<i32>} : memref<80x128xf32, #tpu.memory_space<vmem>>, vector<1x16xf32>,
        %swap3A_217 = vector.shape_cast %swap3A_216 : vector<1x16xf32> to vector<16xf32>
        %swap3A_218 = vector.shape_cast %broadcast_in_dim3A_163 : vector<16xf32> to vector<1x16xf32>
        tpu.vector_store %arg24[%swap3A_214, %swap3A_215], %swap3A_218 {strides = array<i32>} : memref<80x128xf32, #tpu.memory_space<vmem>>, vector<1x16xf32>,
        %swap3A_219 = arith.index_cast %scan3A_208 : i32 to index
        %swap3A_220 = arith.constant 32 : index
        %swap3A_221 = tpu.vector_load %arg24[%swap3A_219, %swap3A_220] {strides = array<i32>} : memref<80x128xf32, #tpu.memory_space<vmem>>, vector<1x16xf32>,
        %swap3A_222 = vector.shape_cast %swap3A_221 : vector<1x16xf32> to vector<16xf32>
        %swap3A_223 = vector.shape_cast %broadcast_in_dim3A_163 : vector<16xf32> to vector<1x16xf32>
        tpu.vector_store %arg24[%swap3A_219, %swap3A_220], %swap3A_223 {strides = array<i32>} : memref<80x128xf32, #tpu.memory_space<vmem>>, vector<1x16xf32>,
        %swap3A_224 = arith.index_cast %scan3A_208 : i32 to index
        %swap3A_225 = arith.constant 48 : index
        %swap3A_226 = tpu.vector_load %arg24[%swap3A_224, %swap3A_225] {strides = array<i32>} : memref<80x128xf32, #tpu.memory_space<vmem>>, vector<1x16xf32>,
        %swap3A_227 = vector.shape_cast %swap3A_226 : vector<1x16xf32> to vector<16xf32>
        %swap3A_228 = vector.shape_cast %broadcast_in_dim3A_163 : vector<16xf32> to vector<1x16xf32>
        tpu.vector_store %arg24[%swap3A_224, %swap3A_225], %swap3A_228 {strides = array<i32>} : memref<80x128xf32, #tpu.memory_space<vmem>>, vector<1x16xf32>,
        %swap3A_229 = arith.index_cast %scan3A_208 : i32 to index
        %swap3A_230 = arith.constant 64 : index
        %swap3A_231 = tpu.vector_load %arg24[%swap3A_229, %swap3A_230] {strides = array<i32>} : memref<80x128xf32, #tpu.memory_space<vmem>>, vector<1x16xf32>,
        %swap3A_232 = vector.shape_cast %swap3A_231 : vector<1x16xf32> to vector<16xf32>
        %swap3A_233 = vector.shape_cast %broadcast_in_dim3A_163 : vector<16xf32> to vector<1x16xf32>
        tpu.vector_store %arg24[%swap3A_229, %swap3A_230], %swap3A_233 {strides = array<i32>} : memref<80x128xf32, #tpu.memory_space<vmem>>, vector<1x16xf32>,
        %swap3A_234 = arith.index_cast %scan3A_208 : i32 to index
        %swap3A_235 = arith.constant 80 : index
        %swap3A_236 = tpu.vector_load %arg24[%swap3A_234, %swap3A_235] {strides = array<i32>} : memref<80x128xf32, #tpu.memory_space<vmem>>, vector<1x16xf32>,
        %swap3A_237 = vector.shape_cast %swap3A_236 : vector<1x16xf32> to vector<16xf32>
        %swap3A_238 = vector.shape_cast %broadcast_in_dim3A_163 : vector<16xf32> to vector<1x16xf32>
        tpu.vector_store %arg24[%swap3A_234, %swap3A_235], %swap3A_238 {strides = array<i32>} : memref<80x128xf32, #tpu.memory_space<vmem>>, vector<1x16xf32>,
        %swap3A_239 = arith.index_cast %scan3A_208 : i32 to index
        %swap3A_240 = arith.constant 96 : index
        %swap3A_241 = tpu.vector_load %arg24[%swap3A_239, %swap3A_240] {strides = array<i32>} : memref<80x128xf32, #tpu.memory_space<vmem>>, vector<1x16xf32>,
        %swap3A_242 = vector.shape_cast %swap3A_241 : vector<1x16xf32> to vector<16xf32>
        %swap3A_243 = vector.shape_cast %broadcast_in_dim3A_163 : vector<16xf32> to vector<1x16xf32>
        tpu.vector_store %arg24[%swap3A_239, %swap3A_240], %swap3A_243 {strides = array<i32>} : memref<80x128xf32, #tpu.memory_space<vmem>>, vector<1x16xf32>,
        %swap3A_244 = arith.index_cast %scan3A_208 : i32 to index
        %swap3A_245 = arith.constant 112 : index
        %swap3A_246 = tpu.vector_load %arg24[%swap3A_244, %swap3A_245] {strides = array<i32>} : memref<80x128xf32, #tpu.memory_space<vmem>>, vector<1x16xf32>,
        %swap3A_247 = vector.shape_cast %swap3A_246 : vector<1x16xf32> to vector<16xf32>
        %swap3A_248 = vector.shape_cast %broadcast_in_dim3A_163 : vector<16xf32> to vector<1x16xf32>
        tpu.vector_store %arg24[%swap3A_244, %swap3A_245], %swap3A_248 {strides = array<i32>} : memref<80x128xf32, #tpu.memory_space<vmem>>, vector<1x16xf32>,
        %scan3A_249 = arith.constant 0 : i32
        scf.yield %scan3A_249 : i32
      }
      %scan3A_170 = arith.constant 80 : i32
      %mul3A_171 = arith.constant 624 : i32
      %mul3A_172 = arith.muli %arg1, %mul3A_171 : i32
      %add3A_173 = arith.constant 0 : i32
      %add3A_174 = arith.addi %mul3A_172, %add3A_173 : i32
      "tpu.region"() ({
        %run_scoped3A = tpu.sem_alloc : memref<!tpu.dma_semaphore, #tpu.memory_space<semaphore_mem>>
        %dma_start3A_208 = arith.constant 0 : i32
        %dma_start3A_209 = tpu.memref_slice %arg26[%add3A_174, %dma_start3A_208] : memref<10000x128xf32, #tpu.memory_space<vmem_shared>> -> memref<80x128xf32, #tpu.memory_space<vmem_shared>>
        %dma_start3A_210 = arith.constant 0 : i32
        %dma_start3A_211 = tpu.memref_slice %arg26[%add3A_174, %dma_start3A_210] : memref<10000x128xf32, #tpu.memory_space<vmem_shared>> -> memref<80x128xf32, #tpu.memory_space<vmem_shared>>
        tpu.enqueue_dma source(%arg24 : memref<80x128xf32, #tpu.memory_space<vmem>>) target(%dma_start3A_211 : memref<80x128xf32, #tpu.memory_space<vmem_shared>>) target_semaphore(%run_scoped3A : memref<!tpu.dma_semaphore, #tpu.memory_space<semaphore_mem>>)
        %dma_wait3A_212 = arith.constant 0 : i32
        %dma_wait3A_213 = tpu.memref_slice %arg26[%add3A_174, %dma_wait3A_212] : memref<10000x128xf32, #tpu.memory_space<vmem_shared>> -> memref<80x128xf32, #tpu.memory_space<vmem_shared>>
        %dma_wait3A_214 = arith.constant 0 : i32
        %dma_wait3A_215 = tpu.memref_slice %arg26[%add3A_174, %dma_wait3A_214] : memref<10000x128xf32, #tpu.memory_space<vmem_shared>> -> memref<80x128xf32, #tpu.memory_space<vmem_shared>>
        tpu.wait_dma2 semaphore(%run_scoped3A : memref<!tpu.dma_semaphore, #tpu.memory_space<semaphore_mem>>) src(%arg24 : memref<80x128xf32, #tpu.memory_space<vmem>>) dst(%dma_wait3A_215 : memref<80x128xf32, #tpu.memory_space<vmem_shared>>)
        tpu.yield
      }) : () -> ()
      %mul3A_175 = arith.constant 624 : i32
      %mul3A_176 = arith.muli %arg1, %mul3A_175 : i32
      %add3A_177 = arith.constant 80 : i32
      %add3A_178 = arith.addi %mul3A_176, %add3A_177 : i32
      "tpu.region"() ({
        %run_scoped3A = tpu.sem_alloc : memref<!tpu.dma_semaphore, #tpu.memory_space<semaphore_mem>>
        %dma_start3A_208 = arith.constant 0 : i32
        %dma_start3A_209 = tpu.memref_slice %arg26[%add3A_178, %dma_start3A_208] : memref<10000x128xf32, #tpu.memory_space<vmem_shared>> -> memref<80x128xf32, #tpu.memory_space<vmem_shared>>
        %dma_start3A_210 = arith.constant 0 : i32
        %dma_start3A_211 = tpu.memref_slice %arg26[%add3A_178, %dma_start3A_210] : memref<10000x128xf32, #tpu.memory_space<vmem_shared>> -> memref<80x128xf32, #tpu.memory_space<vmem_shared>>
        tpu.enqueue_dma source(%arg24 : memref<80x128xf32, #tpu.memory_space<vmem>>) target(%dma_start3A_211 : memref<80x128xf32, #tpu.memory_space<vmem_shared>>) target_semaphore(%run_scoped3A : memref<!tpu.dma_semaphore, #tpu.memory_space<semaphore_mem>>)
        %dma_wait3A_212 = arith.constant 0 : i32
        %dma_wait3A_213 = tpu.memref_slice %arg26[%add3A_178, %dma_wait3A_212] : memref<10000x128xf32, #tpu.memory_space<vmem_shared>> -> memref<80x128xf32, #tpu.memory_space<vmem_shared>>
        %dma_wait3A_214 = arith.constant 0 : i32
        %dma_wait3A_215 = tpu.memref_slice %arg26[%add3A_178, %dma_wait3A_214] : memref<10000x128xf32, #tpu.memory_space<vmem_shared>> -> memref<80x128xf32, #tpu.memory_space<vmem_shared>>
        tpu.wait_dma2 semaphore(%run_scoped3A : memref<!tpu.dma_semaphore, #tpu.memory_space<semaphore_mem>>) src(%arg24 : memref<80x128xf32, #tpu.memory_space<vmem>>) dst(%dma_wait3A_215 : memref<80x128xf32, #tpu.memory_space<vmem_shared>>)
        tpu.yield
      }) : () -> ()
      %mul3A_179 = arith.constant 624 : i32
      %mul3A_180 = arith.muli %arg1, %mul3A_179 : i32
      %add3A_181 = arith.constant 160 : i32
      %add3A_182 = arith.addi %mul3A_180, %add3A_181 : i32
      "tpu.region"() ({
        %run_scoped3A = tpu.sem_alloc : memref<!tpu.dma_semaphore, #tpu.memory_space<semaphore_mem>>
        %dma_start3A_208 = arith.constant 0 : i32
        %dma_start3A_209 = tpu.memref_slice %arg26[%add3A_182, %dma_start3A_208] : memref<10000x128xf32, #tpu.memory_space<vmem_shared>> -> memref<80x128xf32, #tpu.memory_space<vmem_shared>>
        %dma_start3A_210 = arith.constant 0 : i32
        %dma_start3A_211 = tpu.memref_slice %arg26[%add3A_182, %dma_start3A_210] : memref<10000x128xf32, #tpu.memory_space<vmem_shared>> -> memref<80x128xf32, #tpu.memory_space<vmem_shared>>
        tpu.enqueue_dma source(%arg24 : memref<80x128xf32, #tpu.memory_space<vmem>>) target(%dma_start3A_211 : memref<80x128xf32, #tpu.memory_space<vmem_shared>>) target_semaphore(%run_scoped3A : memref<!tpu.dma_semaphore, #tpu.memory_space<semaphore_mem>>)
        %dma_wait3A_212 = arith.constant 0 : i32
        %dma_wait3A_213 = tpu.memref_slice %arg26[%add3A_182, %dma_wait3A_212] : memref<10000x128xf32, #tpu.memory_space<vmem_shared>> -> memref<80x128xf32, #tpu.memory_space<vmem_shared>>
        %dma_wait3A_214 = arith.constant 0 : i32
        %dma_wait3A_215 = tpu.memref_slice %arg26[%add3A_182, %dma_wait3A_214] : memref<10000x128xf32, #tpu.memory_space<vmem_shared>> -> memref<80x128xf32, #tpu.memory_space<vmem_shared>>
        tpu.wait_dma2 semaphore(%run_scoped3A : memref<!tpu.dma_semaphore, #tpu.memory_space<semaphore_mem>>) src(%arg24 : memref<80x128xf32, #tpu.memory_space<vmem>>) dst(%dma_wait3A_215 : memref<80x128xf32, #tpu.memory_space<vmem_shared>>)
        tpu.yield
      }) : () -> ()
      %mul3A_183 = arith.constant 624 : i32
      %mul3A_184 = arith.muli %arg1, %mul3A_183 : i32
      %add3A_185 = arith.constant 240 : i32
      %add3A_186 = arith.addi %mul3A_184, %add3A_185 : i32
      "tpu.region"() ({
        %run_scoped3A = tpu.sem_alloc : memref<!tpu.dma_semaphore, #tpu.memory_space<semaphore_mem>>
        %dma_start3A_208 = arith.constant 0 : i32
        %dma_start3A_209 = tpu.memref_slice %arg26[%add3A_186, %dma_start3A_208] : memref<10000x128xf32, #tpu.memory_space<vmem_shared>> -> memref<80x128xf32, #tpu.memory_space<vmem_shared>>
        %dma_start3A_210 = arith.constant 0 : i32
        %dma_start3A_211 = tpu.memref_slice %arg26[%add3A_186, %dma_start3A_210] : memref<10000x128xf32, #tpu.memory_space<vmem_shared>> -> memref<80x128xf32, #tpu.memory_space<vmem_shared>>
        tpu.enqueue_dma source(%arg24 : memref<80x128xf32, #tpu.memory_space<vmem>>) target(%dma_start3A_211 : memref<80x128xf32, #tpu.memory_space<vmem_shared>>) target_semaphore(%run_scoped3A : memref<!tpu.dma_semaphore, #tpu.memory_space<semaphore_mem>>)
        %dma_wait3A_212 = arith.constant 0 : i32
        %dma_wait3A_213 = tpu.memref_slice %arg26[%add3A_186, %dma_wait3A_212] : memref<10000x128xf32, #tpu.memory_space<vmem_shared>> -> memref<80x128xf32, #tpu.memory_space<vmem_shared>>
        %dma_wait3A_214 = arith.constant 0 : i32
        %dma_wait3A_215 = tpu.memref_slice %arg26[%add3A_186, %dma_wait3A_214] : memref<10000x128xf32, #tpu.memory_space<vmem_shared>> -> memref<80x128xf32, #tpu.memory_space<vmem_shared>>
        tpu.wait_dma2 semaphore(%run_scoped3A : memref<!tpu.dma_semaphore, #tpu.memory_space<semaphore_mem>>) src(%arg24 : memref<80x128xf32, #tpu.memory_space<vmem>>) dst(%dma_wait3A_215 : memref<80x128xf32, #tpu.memory_space<vmem_shared>>)
        tpu.yield
      }) : () -> ()
      %mul3A_187 = arith.constant 624 : i32
      %mul3A_188 = arith.muli %arg1, %mul3A_187 : i32
      %add3A_189 = arith.constant 320 : i32
      %add3A_190 = arith.addi %mul3A_188, %add3A_189 : i32
      "tpu.region"() ({
        %run_scoped3A = tpu.sem_alloc : memref<!tpu.dma_semaphore, #tpu.memory_space<semaphore_mem>>
        %dma_start3A_208 = arith.constant 0 : i32
        %dma_start3A_209 = tpu.memref_slice %arg26[%add3A_190, %dma_start3A_208] : memref<10000x128xf32, #tpu.memory_space<vmem_shared>> -> memref<80x128xf32, #tpu.memory_space<vmem_shared>>
        %dma_start3A_210 = arith.constant 0 : i32
        %dma_start3A_211 = tpu.memref_slice %arg26[%add3A_190, %dma_start3A_210] : memref<10000x128xf32, #tpu.memory_space<vmem_shared>> -> memref<80x128xf32, #tpu.memory_space<vmem_shared>>
        tpu.enqueue_dma source(%arg24 : memref<80x128xf32, #tpu.memory_space<vmem>>) target(%dma_start3A_211 : memref<80x128xf32, #tpu.memory_space<vmem_shared>>) target_semaphore(%run_scoped3A : memref<!tpu.dma_semaphore, #tpu.memory_space<semaphore_mem>>)
        %dma_wait3A_212 = arith.constant 0 : i32
        %dma_wait3A_213 = tpu.memref_slice %arg26[%add3A_190, %dma_wait3A_212] : memref<10000x128xf32, #tpu.memory_space<vmem_shared>> -> memref<80x128xf32, #tpu.memory_space<vmem_shared>>
        %dma_wait3A_214 = arith.constant 0 : i32
        %dma_wait3A_215 = tpu.memref_slice %arg26[%add3A_190, %dma_wait3A_214] : memref<10000x128xf32, #tpu.memory_space<vmem_shared>> -> memref<80x128xf32, #tpu.memory_space<vmem_shared>>
        tpu.wait_dma2 semaphore(%run_scoped3A : memref<!tpu.dma_semaphore, #tpu.memory_space<semaphore_mem>>) src(%arg24 : memref<80x128xf32, #tpu.memory_space<vmem>>) dst(%dma_wait3A_215 : memref<80x128xf32, #tpu.memory_space<vmem_shared>>)
        tpu.yield
      }) : () -> ()
      %mul3A_191 = arith.constant 624 : i32
      %mul3A_192 = arith.muli %arg1, %mul3A_191 : i32
      %add3A_193 = arith.constant 400 : i32
      %add3A_194 = arith.addi %mul3A_192, %add3A_193 : i32
      "tpu.region"() ({
        %run_scoped3A = tpu.sem_alloc : memref<!tpu.dma_semaphore, #tpu.memory_space<semaphore_mem>>
        %dma_start3A_208 = arith.constant 0 : i32
        %dma_start3A_209 = tpu.memref_slice %arg26[%add3A_194, %dma_start3A_208] : memref<10000x128xf32, #tpu.memory_space<vmem_shared>> -> memref<80x128xf32, #tpu.memory_space<vmem_shared>>
        %dma_start3A_210 = arith.constant 0 : i32
        %dma_start3A_211 = tpu.memref_slice %arg26[%add3A_194, %dma_start3A_210] : memref<10000x128xf32, #tpu.memory_space<vmem_shared>> -> memref<80x128xf32, #tpu.memory_space<vmem_shared>>
        tpu.enqueue_dma source(%arg24 : memref<80x128xf32, #tpu.memory_space<vmem>>) target(%dma_start3A_211 : memref<80x128xf32, #tpu.memory_space<vmem_shared>>) target_semaphore(%run_scoped3A : memref<!tpu.dma_semaphore, #tpu.memory_space<semaphore_mem>>)
        %dma_wait3A_212 = arith.constant 0 : i32
        %dma_wait3A_213 = tpu.memref_slice %arg26[%add3A_194, %dma_wait3A_212] : memref<10000x128xf32, #tpu.memory_space<vmem_shared>> -> memref<80x128xf32, #tpu.memory_space<vmem_shared>>
        %dma_wait3A_214 = arith.constant 0 : i32
        %dma_wait3A_215 = tpu.memref_slice %arg26[%add3A_194, %dma_wait3A_214] : memref<10000x128xf32, #tpu.memory_space<vmem_shared>> -> memref<80x128xf32, #tpu.memory_space<vmem_shared>>
        tpu.wait_dma2 semaphore(%run_scoped3A : memref<!tpu.dma_semaphore, #tpu.memory_space<semaphore_mem>>) src(%arg24 : memref<80x128xf32, #tpu.memory_space<vmem>>) dst(%dma_wait3A_215 : memref<80x128xf32, #tpu.memory_space<vmem_shared>>)
        tpu.yield
      }) : () -> ()
      %mul3A_195 = arith.constant 624 : i32
      %mul3A_196 = arith.muli %arg1, %mul3A_195 : i32
      %add3A_197 = arith.constant 480 : i32
      %add3A_198 = arith.addi %mul3A_196, %add3A_197 : i32
      "tpu.region"() ({
        %run_scoped3A = tpu.sem_alloc : memref<!tpu.dma_semaphore, #tpu.memory_space<semaphore_mem>>
        %dma_start3A_208 = arith.constant 0 : i32
        %dma_start3A_209 = tpu.memref_slice %arg26[%add3A_198, %dma_start3A_208] : memref<10000x128xf32, #tpu.memory_space<vmem_shared>> -> memref<80x128xf32, #tpu.memory_space<vmem_shared>>
        %dma_start3A_210 = arith.constant 0 : i32
        %dma_start3A_211 = tpu.memref_slice %arg26[%add3A_198, %dma_start3A_210] : memref<10000x128xf32, #tpu.memory_space<vmem_shared>> -> memref<80x128xf32, #tpu.memory_space<vmem_shared>>
        tpu.enqueue_dma source(%arg24 : memref<80x128xf32, #tpu.memory_space<vmem>>) target(%dma_start3A_211 : memref<80x128xf32, #tpu.memory_space<vmem_shared>>) target_semaphore(%run_scoped3A : memref<!tpu.dma_semaphore, #tpu.memory_space<semaphore_mem>>)
        %dma_wait3A_212 = arith.constant 0 : i32
        %dma_wait3A_213 = tpu.memref_slice %arg26[%add3A_198, %dma_wait3A_212] : memref<10000x128xf32, #tpu.memory_space<vmem_shared>> -> memref<80x128xf32, #tpu.memory_space<vmem_shared>>
        %dma_wait3A_214 = arith.constant 0 : i32
        %dma_wait3A_215 = tpu.memref_slice %arg26[%add3A_198, %dma_wait3A_214] : memref<10000x128xf32, #tpu.memory_space<vmem_shared>> -> memref<80x128xf32, #tpu.memory_space<vmem_shared>>
        tpu.wait_dma2 semaphore(%run_scoped3A : memref<!tpu.dma_semaphore, #tpu.memory_space<semaphore_mem>>) src(%arg24 : memref<80x128xf32, #tpu.memory_space<vmem>>) dst(%dma_wait3A_215 : memref<80x128xf32, #tpu.memory_space<vmem_shared>>)
        tpu.yield
      }) : () -> ()
      %mul3A_199 = arith.constant 624 : i32
      %mul3A_200 = arith.muli %arg1, %mul3A_199 : i32
      %add3A_201 = arith.constant 560 : i32
      %add3A_202 = arith.addi %mul3A_200, %add3A_201 : i32
      "tpu.region"() ({
        %run_scoped3A = tpu.sem_alloc : memref<!tpu.dma_semaphore, #tpu.memory_space<semaphore_mem>>
        %dma_start3A_208 = arith.constant 0 : i32
        %dma_start3A_209 = arith.constant 0 : i32
        %dma_start3A_210 = tpu.memref_slice %arg24[%dma_start3A_208, %dma_start3A_209] : memref<80x128xf32, #tpu.memory_space<vmem>> -> memref<64x128xf32, #tpu.memory_space<vmem>>
        %dma_start3A_211 = arith.constant 0 : i32
        %dma_start3A_212 = tpu.memref_slice %arg26[%add3A_202, %dma_start3A_211] : memref<10000x128xf32, #tpu.memory_space<vmem_shared>> -> memref<64x128xf32, #tpu.memory_space<vmem_shared>>
        %dma_start3A_213 = arith.constant 0 : i32
        %dma_start3A_214 = tpu.memref_slice %arg26[%add3A_202, %dma_start3A_213] : memref<10000x128xf32, #tpu.memory_space<vmem_shared>> -> memref<64x128xf32, #tpu.memory_space<vmem_shared>>
        %dma_start3A_215 = arith.constant 0 : i32
        %dma_start3A_216 = arith.constant 0 : i32
        %dma_start3A_217 = tpu.memref_slice %arg24[%dma_start3A_215, %dma_start3A_216] : memref<80x128xf32, #tpu.memory_space<vmem>> -> memref<64x128xf32, #tpu.memory_space<vmem>>
        tpu.enqueue_dma source(%dma_start3A_217 : memref<64x128xf32, #tpu.memory_space<vmem>>) target(%dma_start3A_214 : memref<64x128xf32, #tpu.memory_space<vmem_shared>>) target_semaphore(%run_scoped3A : memref<!tpu.dma_semaphore, #tpu.memory_space<semaphore_mem>>)
        %dma_wait3A_218 = arith.constant 0 : i32
        %dma_wait3A_219 = arith.constant 0 : i32
        %dma_wait3A_220 = tpu.memref_slice %arg24[%dma_wait3A_218, %dma_wait3A_219] : memref<80x128xf32, #tpu.memory_space<vmem>> -> memref<64x128xf32, #tpu.memory_space<vmem>>
        %dma_wait3A_221 = arith.constant 0 : i32
        %dma_wait3A_222 = tpu.memref_slice %arg26[%add3A_202, %dma_wait3A_221] : memref<10000x128xf32, #tpu.memory_space<vmem_shared>> -> memref<64x128xf32, #tpu.memory_space<vmem_shared>>
        %dma_wait3A_223 = arith.constant 0 : i32
        %dma_wait3A_224 = tpu.memref_slice %arg26[%add3A_202, %dma_wait3A_223] : memref<10000x128xf32, #tpu.memory_space<vmem_shared>> -> memref<64x128xf32, #tpu.memory_space<vmem_shared>>
        %dma_wait3A_225 = arith.constant 0 : i32
        %dma_wait3A_226 = arith.constant 0 : i32
        %dma_wait3A_227 = tpu.memref_slice %arg24[%dma_wait3A_225, %dma_wait3A_226] : memref<80x128xf32, #tpu.memory_space<vmem>> -> memref<64x128xf32, #tpu.memory_space<vmem>>
        tpu.wait_dma2 semaphore(%run_scoped3A : memref<!tpu.dma_semaphore, #tpu.memory_space<semaphore_mem>>) src(%dma_wait3A_227 : memref<64x128xf32, #tpu.memory_space<vmem>>) dst(%dma_wait3A_224 : memref<64x128xf32, #tpu.memory_space<vmem_shared>>)
        tpu.yield
      }) : () -> ()
      %eq3A_203 = arith.constant 15 : i32
      %eq3A_204 = arith.cmpi eq, %arg1, %eq3A_203 : i32
      %convert_element_type3A_205 = arith.extui %eq3A_204 : i1 to i32
      %cond3A_206 = arith.constant 0 : i32
      %cond3A_207 = arith.cmpi ne, %convert_element_type3A_205, %cond3A_206 : i32
      scf.if %cond3A_207 {
        "tpu.region"() ({
          %run_scoped3A = tpu.sem_alloc : memref<!tpu.dma_semaphore, #tpu.memory_space<semaphore_mem>>
          %dma_start3A_208 = arith.constant 0 : i32
          %dma_start3A_209 = arith.constant 0 : i32
          %dma_start3A_210 = tpu.memref_slice %arg24[%dma_start3A_208, %dma_start3A_209] : memref<80x128xf32, #tpu.memory_space<vmem>> -> memref<16x128xf32, #tpu.memory_space<vmem>>
          %dma_start3A_211 = arith.constant 9984 : i32
          %dma_start3A_212 = arith.constant 0 : i32
          %dma_start3A_213 = tpu.memref_slice %arg26[%dma_start3A_211, %dma_start3A_212] : memref<10000x128xf32, #tpu.memory_space<vmem_shared>> -> memref<16x128xf32, #tpu.memory_space<vmem_shared>>
          %dma_start3A_214 = arith.constant 9984 : i32
          %dma_start3A_215 = arith.constant 0 : i32
          %dma_start3A_216 = tpu.memref_slice %arg26[%dma_start3A_214, %dma_start3A_215] : memref<10000x128xf32, #tpu.memory_space<vmem_shared>> -> memref<16x128xf32, #tpu.memory_space<vmem_shared>>
          %dma_start3A_217 = arith.constant 0 : i32
          %dma_start3A_218 = arith.constant 0 : i32
          %dma_start3A_219 = tpu.memref_slice %arg24[%dma_start3A_217, %dma_start3A_218] : memref<80x128xf32, #tpu.memory_space<vmem>> -> memref<16x128xf32, #tpu.memory_space<vmem>>
          tpu.enqueue_dma source(%dma_start3A_219 : memref<16x128xf32, #tpu.memory_space<vmem>>) target(%dma_start3A_216 : memref<16x128xf32, #tpu.memory_space<vmem_shared>>) target_semaphore(%run_scoped3A : memref<!tpu.dma_semaphore, #tpu.memory_space<semaphore_mem>>)
          %dma_wait3A_220 = arith.constant 0 : i32
          %dma_wait3A_221 = arith.constant 0 : i32
          %dma_wait3A_222 = tpu.memref_slice %arg24[%dma_wait3A_220, %dma_wait3A_221] : memref<80x128xf32, #tpu.memory_space<vmem>> -> memref<16x128xf32, #tpu.memory_space<vmem>>
          %dma_wait3A_223 = arith.constant 9984 : i32
          %dma_wait3A_224 = arith.constant 0 : i32
          %dma_wait3A_225 = tpu.memref_slice %arg26[%dma_wait3A_223, %dma_wait3A_224] : memref<10000x128xf32, #tpu.memory_space<vmem_shared>> -> memref<16x128xf32, #tpu.memory_space<vmem_shared>>
          %dma_wait3A_226 = arith.constant 9984 : i32
          %dma_wait3A_227 = arith.constant 0 : i32
          %dma_wait3A_228 = tpu.memref_slice %arg26[%dma_wait3A_226, %dma_wait3A_227] : memref<10000x128xf32, #tpu.memory_space<vmem_shared>> -> memref<16x128xf32, #tpu.memory_space<vmem_shared>>
          %dma_wait3A_229 = arith.constant 0 : i32
          %dma_wait3A_230 = arith.constant 0 : i32
          %dma_wait3A_231 = tpu.memref_slice %arg24[%dma_wait3A_229, %dma_wait3A_230] : memref<80x128xf32, #tpu.memory_space<vmem>> -> memref<16x128xf32, #tpu.memory_space<vmem>>
          tpu.wait_dma2 semaphore(%run_scoped3A : memref<!tpu.dma_semaphore, #tpu.memory_space<semaphore_mem>>) src(%dma_wait3A_231 : memref<16x128xf32, #tpu.memory_space<vmem>>) dst(%dma_wait3A_228 : memref<16x128xf32, #tpu.memory_space<vmem_shared>>)
          tpu.yield
        }) : () -> ()
      } else {
      }
    } else {
    }
    %barrier3A = arith.constant 0 : index
    tpu.barrier barrier_id(%barrier3A)
    %add3A_54 = arith.constant 320 : i32
    %add3A_55 = arith.addi %mul3A_2, %add3A_54 : i32
    %dma_start3A_56 = tpu.memref_slice %arg3[%add3A_55] : memref<320000xi32, #tpu.memory_space<hbm>> -> memref<80xi32, #tpu.memory_space<hbm>>
    %dma_start3A_57 = tpu.memref_slice %arg3[%add3A_55] : memref<320000xi32, #tpu.memory_space<hbm>> -> memref<80xi32, #tpu.memory_space<hbm>>
    tpu.enqueue_dma source(%dma_start3A_57 : memref<80xi32, #tpu.memory_space<hbm>>) target(%arg10 : memref<80xi32, #tpu.memory_space<vmem>>) target_semaphore(%arg35 : memref<!tpu.dma_semaphore, #tpu.memory_space<semaphore_mem>>)
    %dma_start3A_58 = tpu.memref_slice %arg4[%add3A_55] : memref<320000xi32, #tpu.memory_space<hbm>> -> memref<80xi32, #tpu.memory_space<hbm>>
    %dma_start3A_59 = tpu.memref_slice %arg4[%add3A_55] : memref<320000xi32, #tpu.memory_space<hbm>> -> memref<80xi32, #tpu.memory_space<hbm>>
    tpu.enqueue_dma source(%dma_start3A_59 : memref<80xi32, #tpu.memory_space<hbm>>) target(%arg18 : memref<80xi32, #tpu.memory_space<vmem>>) target_semaphore(%arg35 : memref<!tpu.dma_semaphore, #tpu.memory_space<semaphore_mem>>)
    %dma_wait3A_60 = arith.constant 0 : i32
    %dma_wait3A_61 = tpu.memref_slice %arg3[%dma_wait3A_60] : memref<320000xi32, #tpu.memory_space<hbm>> -> memref<80xi32, #tpu.memory_space<hbm>>
    %dma_wait3A_62 = arith.constant 0 : i32
    %dma_wait3A_63 = tpu.memref_slice %arg3[%dma_wait3A_62] : memref<320000xi32, #tpu.memory_space<hbm>> -> memref<80xi32, #tpu.memory_space<hbm>>
    tpu.wait_dma2 semaphore(%arg33 : memref<!tpu.dma_semaphore, #tpu.memory_space<semaphore_mem>>) src(%dma_wait3A_63 : memref<80xi32, #tpu.memory_space<hbm>>) dst(%arg8 : memref<80xi32, #tpu.memory_space<vmem>>)
    %dma_wait3A_64 = arith.constant 0 : i32
    %dma_wait3A_65 = tpu.memref_slice %arg4[%dma_wait3A_64] : memref<320000xi32, #tpu.memory_space<hbm>> -> memref<80xi32, #tpu.memory_space<hbm>>
    %dma_wait3A_66 = arith.constant 0 : i32
    %dma_wait3A_67 = tpu.memref_slice %arg4[%dma_wait3A_66] : memref<320000xi32, #tpu.memory_space<hbm>> -> memref<80xi32, #tpu.memory_space<hbm>>
    tpu.wait_dma2 semaphore(%arg33 : memref<!tpu.dma_semaphore, #tpu.memory_space<semaphore_mem>>) src(%dma_wait3A_67 : memref<80xi32, #tpu.memory_space<hbm>>) dst(%arg16 : memref<80xi32, #tpu.memory_space<vmem>>)
    %dma_start3A_68 = arith.constant 0 : i32
    %dma_start3A_69 = arith.constant 0 : i32
    %dma_start3A_70 = tpu.memref_slice %arg2[%dma_start3A_68, %dma_start3A_69] : memref<10000x128xf32, #tpu.memory_space<hbm>> -> memref<10000x128xf32, #tpu.memory_space<hbm>>
    tpu.enqueue_indirect_dma source(%dma_start3A_70 : memref<10000x128xf32, #tpu.memory_space<hbm>>) target(%arg24 : memref<80x128xf32, #tpu.memory_space<vmem>>) offsets(%arg8 : memref<80xi32, #tpu.memory_space<vmem>>) semaphore(%arg29 : memref<!tpu.dma_semaphore, #tpu.memory_space<semaphore_mem>>)
    %dma_wait3A_71 = arith.constant 0 : i32
    %dma_wait3A_72 = arith.constant 0 : i32
    %dma_wait3A_73 = tpu.memref_slice %arg2[%dma_wait3A_71, %dma_wait3A_72] : memref<10000x128xf32, #tpu.memory_space<hbm>> -> memref<10000x128xf32, #tpu.memory_space<hbm>>
    tpu.wait_indirect_dma semaphore(%arg27 : memref<!tpu.dma_semaphore, #tpu.memory_space<semaphore_mem>>) src(%dma_wait3A_73 : memref<10000x128xf32, #tpu.memory_space<hbm>>) dst(%arg22 : memref<80x128xf32, #tpu.memory_space<vmem>>)
    %dma_start3A_74 = arith.constant 0 : i32
    %dma_start3A_75 = arith.constant 0 : i32
    %dma_start3A_76 = tpu.memref_slice %arg26[%dma_start3A_74, %dma_start3A_75] : memref<10000x128xf32, #tpu.memory_space<vmem_shared>> -> memref<10000x128xf32, #tpu.memory_space<vmem_shared>>
    tpu.enqueue_indirect_dma source(%arg22 : memref<80x128xf32, #tpu.memory_space<vmem>>) target(%dma_start3A_76 : memref<10000x128xf32, #tpu.memory_space<vmem_shared>>) offsets(%arg14 : memref<80xi32, #tpu.memory_space<vmem>>) semaphore(%arg39 : memref<!tpu.dma_semaphore, #tpu.memory_space<semaphore_mem>>) {add = true}
    %add3A_77 = arith.constant 400 : i32
    %add3A_78 = arith.addi %mul3A_2, %add3A_77 : i32
    %dma_start3A_79 = tpu.memref_slice %arg3[%add3A_78] : memref<320000xi32, #tpu.memory_space<hbm>> -> memref<80xi32, #tpu.memory_space<hbm>>
    %dma_start3A_80 = tpu.memref_slice %arg3[%add3A_78] : memref<320000xi32, #tpu.memory_space<hbm>> -> memref<80xi32, #tpu.memory_space<hbm>>
    tpu.enqueue_dma source(%dma_start3A_80 : memref<80xi32, #tpu.memory_space<hbm>>) target(%arg11 : memref<80xi32, #tpu.memory_space<vmem>>) target_semaphore(%arg36 : memref<!tpu.dma_semaphore, #tpu.memory_space<semaphore_mem>>)
    %dma_start3A_81 = tpu.memref_slice %arg4[%add3A_78] : memref<320000xi32, #tpu.memory_space<hbm>> -> memref<80xi32, #tpu.memory_space<hbm>>
    %dma_start3A_82 = tpu.memref_slice %arg4[%add3A_78] : memref<320000xi32, #tpu.memory_space<hbm>> -> memref<80xi32, #tpu.memory_space<hbm>>
    tpu.enqueue_dma source(%dma_start3A_82 : memref<80xi32, #tpu.memory_space<hbm>>) target(%arg19 : memref<80xi32, #tpu.memory_space<vmem>>) target_semaphore(%arg36 : memref<!tpu.dma_semaphore, #tpu.memory_space<semaphore_mem>>)
    %dma_wait3A_83 = arith.constant 0 : i32
    %dma_wait3A_84 = tpu.memref_slice %arg3[%dma_wait3A_83] : memref<320000xi32, #tpu.memory_space<hbm>> -> memref<80xi32, #tpu.memory_space<hbm>>
    %dma_wait3A_85 = arith.constant 0 : i32
    %dma_wait3A_86 = tpu.memref_slice %arg3[%dma_wait3A_85] : memref<320000xi32, #tpu.memory_space<hbm>> -> memref<80xi32, #tpu.memory_space<hbm>>
    tpu.wait_dma2 semaphore(%arg34 : memref<!tpu.dma_semaphore, #tpu.memory_space<semaphore_mem>>) src(%dma_wait3A_86 : memref<80xi32, #tpu.memory_space<hbm>>) dst(%arg9 : memref<80xi32, #tpu.memory_space<vmem>>)
    %dma_wait3A_87 = arith.constant 0 : i32
    %dma_wait3A_88 = tpu.memref_slice %arg4[%dma_wait3A_87] : memref<320000xi32, #tpu.memory_space<hbm>> -> memref<80xi32, #tpu.memory_space<hbm>>
    %dma_wait3A_89 = arith.constant 0 : i32
    %dma_wait3A_90 = tpu.memref_slice %arg4[%dma_wait3A_89] : memref<320000xi32, #tpu.memory_space<hbm>> -> memref<80xi32, #tpu.memory_space<hbm>>
    tpu.wait_dma2 semaphore(%arg34 : memref<!tpu.dma_semaphore, #tpu.memory_space<semaphore_mem>>) src(%dma_wait3A_90 : memref<80xi32, #tpu.memory_space<hbm>>) dst(%arg17 : memref<80xi32, #tpu.memory_space<vmem>>)
    %dma_start3A_91 = arith.constant 0 : i32
    %dma_start3A_92 = arith.constant 0 : i32
    %dma_start3A_93 = tpu.memref_slice %arg2[%dma_start3A_91, %dma_start3A_92] : memref<10000x128xf32, #tpu.memory_space<hbm>> -> memref<10000x128xf32, #tpu.memory_space<hbm>>
    tpu.enqueue_indirect_dma source(%dma_start3A_93 : memref<10000x128xf32, #tpu.memory_space<hbm>>) target(%arg25 : memref<80x128xf32, #tpu.memory_space<vmem>>) offsets(%arg9 : memref<80xi32, #tpu.memory_space<vmem>>) semaphore(%arg30 : memref<!tpu.dma_semaphore, #tpu.memory_space<semaphore_mem>>)
    %dma_wait3A_94 = arith.constant 0 : i32
    %dma_wait3A_95 = arith.constant 0 : i32
    %dma_wait3A_96 = tpu.memref_slice %arg2[%dma_wait3A_94, %dma_wait3A_95] : memref<10000x128xf32, #tpu.memory_space<hbm>> -> memref<10000x128xf32, #tpu.memory_space<hbm>>
    tpu.wait_indirect_dma semaphore(%arg28 : memref<!tpu.dma_semaphore, #tpu.memory_space<semaphore_mem>>) src(%dma_wait3A_96 : memref<10000x128xf32, #tpu.memory_space<hbm>>) dst(%arg23 : memref<80x128xf32, #tpu.memory_space<vmem>>)
    %dma_start3A_97 = arith.constant 0 : i32
    %dma_start3A_98 = arith.constant 0 : i32
    %dma_start3A_99 = tpu.memref_slice %arg26[%dma_start3A_97, %dma_start3A_98] : memref<10000x128xf32, #tpu.memory_space<vmem_shared>> -> memref<10000x128xf32, #tpu.memory_space<vmem_shared>>
    tpu.enqueue_indirect_dma source(%arg23 : memref<80x128xf32, #tpu.memory_space<vmem>>) target(%dma_start3A_99 : memref<10000x128xf32, #tpu.memory_space<vmem_shared>>) offsets(%arg15 : memref<80xi32, #tpu.memory_space<vmem>>) semaphore(%arg40 : memref<!tpu.dma_semaphore, #tpu.memory_space<semaphore_mem>>) {add = true}
    %scan3A = arith.constant 0 : i32
    %scan3A_100 = arith.constant 0 : i32
    %scan3A_101 = arith.constant 15 : i32
    %scan3A_102 = arith.addi %scan3A_100, %scan3A_101 : i32
    %scan3A_103 = arith.constant 1 : i32
    %scan3A_104 = scf.for %scan3A_163 = %scan3A_100 to %scan3A_102 step %scan3A_103 iter_args(%scan3A_164 = %scan3A) -> (i32)  : i32 {
      %mul3A_165 = arith.constant 8 : i32
      %mul3A_166 = arith.muli %mul3A_165, %scan3A_163 : i32
      %add3A_167 = arith.constant 2 : i32
      %add3A_168 = arith.addi %mul3A_166, %add3A_167 : i32
      %add3A_169 = arith.constant 0 : i32
      %add3A_170 = arith.addi %add3A_168, %add3A_169 : i32
      %dma_wait3A_171 = arith.constant 0 : i32
      %dma_wait3A_172 = arith.constant 0 : i32
      %dma_wait3A_173 = tpu.memref_slice %arg26[%dma_wait3A_171, %dma_wait3A_172] : memref<10000x128xf32, #tpu.memory_space<vmem_shared>> -> memref<10000x128xf32, #tpu.memory_space<vmem_shared>>
      tpu.wait_indirect_dma semaphore(%arg39 : memref<!tpu.dma_semaphore, #tpu.memory_space<semaphore_mem>>) src(%arg22 : memref<80x128xf32, #tpu.memory_space<vmem>>) dst(%dma_wait3A_173 : memref<10000x128xf32, #tpu.memory_space<vmem_shared>>)
      %add3A_174 = arith.constant 4 : i32
      %add3A_175 = arith.addi %add3A_170, %add3A_174 : i32
      %lt3A = arith.constant 125 : i32
      %lt3A_176 = arith.cmpi slt, %add3A_175, %lt3A : i32
      %convert_element_type3A_177 = arith.extui %lt3A_176 : i1 to i32
      %cond3A_178 = arith.constant 0 : i32
      %cond3A_179 = arith.cmpi ne, %convert_element_type3A_177, %cond3A_178 : i32
      scf.if %cond3A_179 {
        %add3A_429 = arith.constant 4 : i32
        %add3A_430 = arith.addi %add3A_170, %add3A_429 : i32
        %mul3A_431 = arith.constant 80 : i32
        %mul3A_432 = arith.muli %add3A_430, %mul3A_431 : i32
        %add3A_433 = arith.addi %mul3A_2, %mul3A_432 : i32
        %dma_start3A_434 = tpu.memref_slice %arg3[%add3A_433] : memref<320000xi32, #tpu.memory_space<hbm>> -> memref<80xi32, #tpu.memory_space<hbm>>
        %dma_start3A_435 = tpu.memref_slice %arg3[%add3A_433] : memref<320000xi32, #tpu.memory_space<hbm>> -> memref<80xi32, #tpu.memory_space<hbm>>
        tpu.enqueue_dma source(%dma_start3A_435 : memref<80xi32, #tpu.memory_space<hbm>>) target(%arg12 : memref<80xi32, #tpu.memory_space<vmem>>) target_semaphore(%arg37 : memref<!tpu.dma_semaphore, #tpu.memory_space<semaphore_mem>>)
        %dma_start3A_436 = tpu.memref_slice %arg4[%add3A_433] : memref<320000xi32, #tpu.memory_space<hbm>> -> memref<80xi32, #tpu.memory_space<hbm>>
        %dma_start3A_437 = tpu.memref_slice %arg4[%add3A_433] : memref<320000xi32, #tpu.memory_space<hbm>> -> memref<80xi32, #tpu.memory_space<hbm>>
        tpu.enqueue_dma source(%dma_start3A_437 : memref<80xi32, #tpu.memory_space<hbm>>) target(%arg20 : memref<80xi32, #tpu.memory_space<vmem>>) target_semaphore(%arg37 : memref<!tpu.dma_semaphore, #tpu.memory_space<semaphore_mem>>)
      } else {
      }
      %dma_wait3A_180 = arith.constant 0 : i32
      %dma_wait3A_181 = tpu.memref_slice %arg3[%dma_wait3A_180] : memref<320000xi32, #tpu.memory_space<hbm>> -> memref<80xi32, #tpu.memory_space<hbm>>
      %dma_wait3A_182 = arith.constant 0 : i32
      %dma_wait3A_183 = tpu.memref_slice %arg3[%dma_wait3A_182] : memref<320000xi32, #tpu.memory_space<hbm>> -> memref<80xi32, #tpu.memory_space<hbm>>
      tpu.wait_dma2 semaphore(%arg35 : memref<!tpu.dma_semaphore, #tpu.memory_space<semaphore_mem>>) src(%dma_wait3A_183 : memref<80xi32, #tpu.memory_space<hbm>>) dst(%arg10 : memref<80xi32, #tpu.memory_space<vmem>>)
      %dma_wait3A_184 = arith.constant 0 : i32
      %dma_wait3A_185 = tpu.memref_slice %arg4[%dma_wait3A_184] : memref<320000xi32, #tpu.memory_space<hbm>> -> memref<80xi32, #tpu.memory_space<hbm>>
      %dma_wait3A_186 = arith.constant 0 : i32
      %dma_wait3A_187 = tpu.memref_slice %arg4[%dma_wait3A_186] : memref<320000xi32, #tpu.memory_space<hbm>> -> memref<80xi32, #tpu.memory_space<hbm>>
      tpu.wait_dma2 semaphore(%arg35 : memref<!tpu.dma_semaphore, #tpu.memory_space<semaphore_mem>>) src(%dma_wait3A_187 : memref<80xi32, #tpu.memory_space<hbm>>) dst(%arg18 : memref<80xi32, #tpu.memory_space<vmem>>)
      %dma_start3A_188 = arith.constant 0 : i32
      %dma_start3A_189 = arith.constant 0 : i32
      %dma_start3A_190 = tpu.memref_slice %arg2[%dma_start3A_188, %dma_start3A_189] : memref<10000x128xf32, #tpu.memory_space<hbm>> -> memref<10000x128xf32, #tpu.memory_space<hbm>>
      tpu.enqueue_indirect_dma source(%dma_start3A_190 : memref<10000x128xf32, #tpu.memory_space<hbm>>) target(%arg22 : memref<80x128xf32, #tpu.memory_space<vmem>>) offsets(%arg10 : memref<80xi32, #tpu.memory_space<vmem>>) semaphore(%arg27 : memref<!tpu.dma_semaphore, #tpu.memory_space<semaphore_mem>>)
      %dma_wait3A_191 = arith.constant 0 : i32
      %dma_wait3A_192 = arith.constant 0 : i32
      %dma_wait3A_193 = tpu.memref_slice %arg2[%dma_wait3A_191, %dma_wait3A_192] : memref<10000x128xf32, #tpu.memory_space<hbm>> -> memref<10000x128xf32, #tpu.memory_space<hbm>>
      tpu.wait_indirect_dma semaphore(%arg29 : memref<!tpu.dma_semaphore, #tpu.memory_space<semaphore_mem>>) src(%dma_wait3A_193 : memref<10000x128xf32, #tpu.memory_space<hbm>>) dst(%arg24 : memref<80x128xf32, #tpu.memory_space<vmem>>)
      %dma_start3A_194 = arith.constant 0 : i32
      %dma_start3A_195 = arith.constant 0 : i32
      %dma_start3A_196 = tpu.memref_slice %arg26[%dma_start3A_194, %dma_start3A_195] : memref<10000x128xf32, #tpu.memory_space<vmem_shared>> -> memref<10000x128xf32, #tpu.memory_space<vmem_shared>>
      tpu.enqueue_indirect_dma source(%arg24 : memref<80x128xf32, #tpu.memory_space<vmem>>) target(%dma_start3A_196 : memref<10000x128xf32, #tpu.memory_space<vmem_shared>>) offsets(%arg16 : memref<80xi32, #tpu.memory_space<vmem>>) semaphore(%arg41 : memref<!tpu.dma_semaphore, #tpu.memory_space<semaphore_mem>>) {add = true}
      %mul3A_197 = arith.constant 8 : i32
      %mul3A_198 = arith.muli %mul3A_197, %scan3A_163 : i32
      %add3A_199 = arith.constant 2 : i32
      %add3A_200 = arith.addi %mul3A_198, %add3A_199 : i32
      %add3A_201 = arith.constant 1 : i32
      %add3A_202 = arith.addi %add3A_200, %add3A_201 : i32
      %dma_wait3A_203 = arith.constant 0 : i32
      %dma_wait3A_204 = arith.constant 0 : i32
      %dma_wait3A_205 = tpu.memref_slice %arg26[%dma_wait3A_203, %dma_wait3A_204] : memref<10000x128xf32, #tpu.memory_space<vmem_shared>> -> memref<10000x128xf32, #tpu.memory_space<vmem_shared>>
      tpu.wait_indirect_dma semaphore(%arg40 : memref<!tpu.dma_semaphore, #tpu.memory_space<semaphore_mem>>) src(%arg23 : memref<80x128xf32, #tpu.memory_space<vmem>>) dst(%dma_wait3A_205 : memref<10000x128xf32, #tpu.memory_space<vmem_shared>>)
      %add3A_206 = arith.constant 4 : i32
      %add3A_207 = arith.addi %add3A_202, %add3A_206 : i32
      %lt3A_208 = arith.constant 125 : i32
      %lt3A_209 = arith.cmpi slt, %add3A_207, %lt3A_208 : i32
      %convert_element_type3A_210 = arith.extui %lt3A_209 : i1 to i32
      %cond3A_211 = arith.constant 0 : i32
      %cond3A_212 = arith.cmpi ne, %convert_element_type3A_210, %cond3A_211 : i32
      scf.if %cond3A_212 {
        %add3A_429 = arith.constant 4 : i32
        %add3A_430 = arith.addi %add3A_202, %add3A_429 : i32
        %mul3A_431 = arith.constant 80 : i32
        %mul3A_432 = arith.muli %add3A_430, %mul3A_431 : i32
        %add3A_433 = arith.addi %mul3A_2, %mul3A_432 : i32
        %dma_start3A_434 = tpu.memref_slice %arg3[%add3A_433] : memref<320000xi32, #tpu.memory_space<hbm>> -> memref<80xi32, #tpu.memory_space<hbm>>
        %dma_start3A_435 = tpu.memref_slice %arg3[%add3A_433] : memref<320000xi32, #tpu.memory_space<hbm>> -> memref<80xi32, #tpu.memory_space<hbm>>
        tpu.enqueue_dma source(%dma_start3A_435 : memref<80xi32, #tpu.memory_space<hbm>>) target(%arg13 : memref<80xi32, #tpu.memory_space<vmem>>) target_semaphore(%arg38 : memref<!tpu.dma_semaphore, #tpu.memory_space<semaphore_mem>>)
        %dma_start3A_436 = tpu.memref_slice %arg4[%add3A_433] : memref<320000xi32, #tpu.memory_space<hbm>> -> memref<80xi32, #tpu.memory_space<hbm>>
        %dma_start3A_437 = tpu.memref_slice %arg4[%add3A_433] : memref<320000xi32, #tpu.memory_space<hbm>> -> memref<80xi32, #tpu.memory_space<hbm>>
        tpu.enqueue_dma source(%dma_start3A_437 : memref<80xi32, #tpu.memory_space<hbm>>) target(%arg21 : memref<80xi32, #tpu.memory_space<vmem>>) target_semaphore(%arg38 : memref<!tpu.dma_semaphore, #tpu.memory_space<semaphore_mem>>)
      } else {
      }
      %dma_wait3A_213 = arith.constant 0 : i32
      %dma_wait3A_214 = tpu.memref_slice %arg3[%dma_wait3A_213] : memref<320000xi32, #tpu.memory_space<hbm>> -> memref<80xi32, #tpu.memory_space<hbm>>
      %dma_wait3A_215 = arith.constant 0 : i32
      %dma_wait3A_216 = tpu.memref_slice %arg3[%dma_wait3A_215] : memref<320000xi32, #tpu.memory_space<hbm>> -> memref<80xi32, #tpu.memory_space<hbm>>
      tpu.wait_dma2 semaphore(%arg36 : memref<!tpu.dma_semaphore, #tpu.memory_space<semaphore_mem>>) src(%dma_wait3A_216 : memref<80xi32, #tpu.memory_space<hbm>>) dst(%arg11 : memref<80xi32, #tpu.memory_space<vmem>>)
      %dma_wait3A_217 = arith.constant 0 : i32
      %dma_wait3A_218 = tpu.memref_slice %arg4[%dma_wait3A_217] : memref<320000xi32, #tpu.memory_space<hbm>> -> memref<80xi32, #tpu.memory_space<hbm>>
      %dma_wait3A_219 = arith.constant 0 : i32
      %dma_wait3A_220 = tpu.memref_slice %arg4[%dma_wait3A_219] : memref<320000xi32, #tpu.memory_space<hbm>> -> memref<80xi32, #tpu.memory_space<hbm>>
      tpu.wait_dma2 semaphore(%arg36 : memref<!tpu.dma_semaphore, #tpu.memory_space<semaphore_mem>>) src(%dma_wait3A_220 : memref<80xi32, #tpu.memory_space<hbm>>) dst(%arg19 : memref<80xi32, #tpu.memory_space<vmem>>)
      %dma_start3A_221 = arith.constant 0 : i32
      %dma_start3A_222 = arith.constant 0 : i32
      %dma_start3A_223 = tpu.memref_slice %arg2[%dma_start3A_221, %dma_start3A_222] : memref<10000x128xf32, #tpu.memory_space<hbm>> -> memref<10000x128xf32, #tpu.memory_space<hbm>>
      tpu.enqueue_indirect_dma source(%dma_start3A_223 : memref<10000x128xf32, #tpu.memory_space<hbm>>) target(%arg23 : memref<80x128xf32, #tpu.memory_space<vmem>>) offsets(%arg11 : memref<80xi32, #tpu.memory_space<vmem>>) semaphore(%arg28 : memref<!tpu.dma_semaphore, #tpu.memory_space<semaphore_mem>>)
      %dma_wait3A_224 = arith.constant 0 : i32
      %dma_wait3A_225 = arith.constant 0 : i32
      %dma_wait3A_226 = tpu.memref_slice %arg2[%dma_wait3A_224, %dma_wait3A_225] : memref<10000x128xf32, #tpu.memory_space<hbm>> -> memref<10000x128xf32, #tpu.memory_space<hbm>>
      tpu.wait_indirect_dma semaphore(%arg30 : memref<!tpu.dma_semaphore, #tpu.memory_space<semaphore_mem>>) src(%dma_wait3A_226 : memref<10000x128xf32, #tpu.memory_space<hbm>>) dst(%arg25 : memref<80x128xf32, #tpu.memory_space<vmem>>)
      %dma_start3A_227 = arith.constant 0 : i32
      %dma_start3A_228 = arith.constant 0 : i32
      %dma_start3A_229 = tpu.memref_slice %arg26[%dma_start3A_227, %dma_start3A_228] : memref<10000x128xf32, #tpu.memory_space<vmem_shared>> -> memref<10000x128xf32, #tpu.memory_space<vmem_shared>>
      tpu.enqueue_indirect_dma source(%arg25 : memref<80x128xf32, #tpu.memory_space<vmem>>) target(%dma_start3A_229 : memref<10000x128xf32, #tpu.memory_space<vmem_shared>>) offsets(%arg17 : memref<80xi32, #tpu.memory_space<vmem>>) semaphore(%arg42 : memref<!tpu.dma_semaphore, #tpu.memory_space<semaphore_mem>>) {add = true}
      %mul3A_230 = arith.constant 8 : i32
      %mul3A_231 = arith.muli %mul3A_230, %scan3A_163 : i32
      %add3A_232 = arith.constant 2 : i32
      %add3A_233 = arith.addi %mul3A_231, %add3A_232 : i32
      %add3A_234 = arith.constant 2 : i32
      %add3A_235 = arith.addi %add3A_233, %add3A_234 : i32
      %dma_wait3A_236 = arith.constant 0 : i32
      %dma_wait3A_237 = arith.constant 0 : i32
      %dma_wait3A_238 = tpu.memref_slice %arg26[%dma_wait3A_236, %dma_wait3A_237] : memref<10000x128xf32, #tpu.memory_space<vmem_shared>> -> memref<10000x128xf32, #tpu.memory_space<vmem_shared>>
      tpu.wait_indirect_dma semaphore(%arg41 : memref<!tpu.dma_semaphore, #tpu.memory_space<semaphore_mem>>) src(%arg24 : memref<80x128xf32, #tpu.memory_space<vmem>>) dst(%dma_wait3A_238 : memref<10000x128xf32, #tpu.memory_space<vmem_shared>>)
      %add3A_239 = arith.constant 4 : i32
      %add3A_240 = arith.addi %add3A_235, %add3A_239 : i32
      %lt3A_241 = arith.constant 125 : i32
      %lt3A_242 = arith.cmpi slt, %add3A_240, %lt3A_241 : i32
      %convert_element_type3A_243 = arith.extui %lt3A_242 : i1 to i32
      %cond3A_244 = arith.constant 0 : i32
      %cond3A_245 = arith.cmpi ne, %convert_element_type3A_243, %cond3A_244 : i32
      scf.if %cond3A_245 {
        %add3A_429 = arith.constant 4 : i32
        %add3A_430 = arith.addi %add3A_235, %add3A_429 : i32
        %mul3A_431 = arith.constant 80 : i32
        %mul3A_432 = arith.muli %add3A_430, %mul3A_431 : i32
        %add3A_433 = arith.addi %mul3A_2, %mul3A_432 : i32
        %dma_start3A_434 = tpu.memref_slice %arg3[%add3A_433] : memref<320000xi32, #tpu.memory_space<hbm>> -> memref<80xi32, #tpu.memory_space<hbm>>
        %dma_start3A_435 = tpu.memref_slice %arg3[%add3A_433] : memref<320000xi32, #tpu.memory_space<hbm>> -> memref<80xi32, #tpu.memory_space<hbm>>
        tpu.enqueue_dma source(%dma_start3A_435 : memref<80xi32, #tpu.memory_space<hbm>>) target(%arg6 : memref<80xi32, #tpu.memory_space<vmem>>) target_semaphore(%arg31 : memref<!tpu.dma_semaphore, #tpu.memory_space<semaphore_mem>>)
        %dma_start3A_436 = tpu.memref_slice %arg4[%add3A_433] : memref<320000xi32, #tpu.memory_space<hbm>> -> memref<80xi32, #tpu.memory_space<hbm>>
        %dma_start3A_437 = tpu.memref_slice %arg4[%add3A_433] : memref<320000xi32, #tpu.memory_space<hbm>> -> memref<80xi32, #tpu.memory_space<hbm>>
        tpu.enqueue_dma source(%dma_start3A_437 : memref<80xi32, #tpu.memory_space<hbm>>) target(%arg14 : memref<80xi32, #tpu.memory_space<vmem>>) target_semaphore(%arg31 : memref<!tpu.dma_semaphore, #tpu.memory_space<semaphore_mem>>)
      } else {
      }
      %dma_wait3A_246 = arith.constant 0 : i32
      %dma_wait3A_247 = tpu.memref_slice %arg3[%dma_wait3A_246] : memref<320000xi32, #tpu.memory_space<hbm>> -> memref<80xi32, #tpu.memory_space<hbm>>
      %dma_wait3A_248 = arith.constant 0 : i32
      %dma_wait3A_249 = tpu.memref_slice %arg3[%dma_wait3A_248] : memref<320000xi32, #tpu.memory_space<hbm>> -> memref<80xi32, #tpu.memory_space<hbm>>
      tpu.wait_dma2 semaphore(%arg37 : memref<!tpu.dma_semaphore, #tpu.memory_space<semaphore_mem>>) src(%dma_wait3A_249 : memref<80xi32, #tpu.memory_space<hbm>>) dst(%arg12 : memref<80xi32, #tpu.memory_space<vmem>>)
      %dma_wait3A_250 = arith.constant 0 : i32
      %dma_wait3A_251 = tpu.memref_slice %arg4[%dma_wait3A_250] : memref<320000xi32, #tpu.memory_space<hbm>> -> memref<80xi32, #tpu.memory_space<hbm>>
      %dma_wait3A_252 = arith.constant 0 : i32
      %dma_wait3A_253 = tpu.memref_slice %arg4[%dma_wait3A_252] : memref<320000xi32, #tpu.memory_space<hbm>> -> memref<80xi32, #tpu.memory_space<hbm>>
      tpu.wait_dma2 semaphore(%arg37 : memref<!tpu.dma_semaphore, #tpu.memory_space<semaphore_mem>>) src(%dma_wait3A_253 : memref<80xi32, #tpu.memory_space<hbm>>) dst(%arg20 : memref<80xi32, #tpu.memory_space<vmem>>)
      %dma_start3A_254 = arith.constant 0 : i32
      %dma_start3A_255 = arith.constant 0 : i32
      %dma_start3A_256 = tpu.memref_slice %arg2[%dma_start3A_254, %dma_start3A_255] : memref<10000x128xf32, #tpu.memory_space<hbm>> -> memref<10000x128xf32, #tpu.memory_space<hbm>>
      tpu.enqueue_indirect_dma source(%dma_start3A_256 : memref<10000x128xf32, #tpu.memory_space<hbm>>) target(%arg24 : memref<80x128xf32, #tpu.memory_space<vmem>>) offsets(%arg12 : memref<80xi32, #tpu.memory_space<vmem>>) semaphore(%arg29 : memref<!tpu.dma_semaphore, #tpu.memory_space<semaphore_mem>>)
      %dma_wait3A_257 = arith.constant 0 : i32
      %dma_wait3A_258 = arith.constant 0 : i32
      %dma_wait3A_259 = tpu.memref_slice %arg2[%dma_wait3A_257, %dma_wait3A_258] : memref<10000x128xf32, #tpu.memory_space<hbm>> -> memref<10000x128xf32, #tpu.memory_space<hbm>>
      tpu.wait_indirect_dma semaphore(%arg27 : memref<!tpu.dma_semaphore, #tpu.memory_space<semaphore_mem>>) src(%dma_wait3A_259 : memref<10000x128xf32, #tpu.memory_space<hbm>>) dst(%arg22 : memref<80x128xf32, #tpu.memory_space<vmem>>)
      %dma_start3A_260 = arith.constant 0 : i32
      %dma_start3A_261 = arith.constant 0 : i32
      %dma_start3A_262 = tpu.memref_slice %arg26[%dma_start3A_260, %dma_start3A_261] : memref<10000x128xf32, #tpu.memory_space<vmem_shared>> -> memref<10000x128xf32, #tpu.memory_space<vmem_shared>>
      tpu.enqueue_indirect_dma source(%arg22 : memref<80x128xf32, #tpu.memory_space<vmem>>) target(%dma_start3A_262 : memref<10000x128xf32, #tpu.memory_space<vmem_shared>>) offsets(%arg18 : memref<80xi32, #tpu.memory_space<vmem>>) semaphore(%arg39 : memref<!tpu.dma_semaphore, #tpu.memory_space<semaphore_mem>>) {add = true}
      %mul3A_263 = arith.constant 8 : i32
      %mul3A_264 = arith.muli %mul3A_263, %scan3A_163 : i32
      %add3A_265 = arith.constant 2 : i32
      %add3A_266 = arith.addi %mul3A_264, %add3A_265 : i32
      %add3A_267 = arith.constant 3 : i32
      %add3A_268 = arith.addi %add3A_266, %add3A_267 : i32
      %dma_wait3A_269 = arith.constant 0 : i32
      %dma_wait3A_270 = arith.constant 0 : i32
      %dma_wait3A_271 = tpu.memref_slice %arg26[%dma_wait3A_269, %dma_wait3A_270] : memref<10000x128xf32, #tpu.memory_space<vmem_shared>> -> memref<10000x128xf32, #tpu.memory_space<vmem_shared>>
      tpu.wait_indirect_dma semaphore(%arg42 : memref<!tpu.dma_semaphore, #tpu.memory_space<semaphore_mem>>) src(%arg25 : memref<80x128xf32, #tpu.memory_space<vmem>>) dst(%dma_wait3A_271 : memref<10000x128xf32, #tpu.memory_space<vmem_shared>>)
      %add3A_272 = arith.constant 4 : i32
      %add3A_273 = arith.addi %add3A_268, %add3A_272 : i32
      %lt3A_274 = arith.constant 125 : i32
      %lt3A_275 = arith.cmpi slt, %add3A_273, %lt3A_274 : i32
      %convert_element_type3A_276 = arith.extui %lt3A_275 : i1 to i32
      %cond3A_277 = arith.constant 0 : i32
      %cond3A_278 = arith.cmpi ne, %convert_element_type3A_276, %cond3A_277 : i32
      scf.if %cond3A_278 {
        %add3A_429 = arith.constant 4 : i32
        %add3A_430 = arith.addi %add3A_268, %add3A_429 : i32
        %mul3A_431 = arith.constant 80 : i32
        %mul3A_432 = arith.muli %add3A_430, %mul3A_431 : i32
        %add3A_433 = arith.addi %mul3A_2, %mul3A_432 : i32
        %dma_start3A_434 = tpu.memref_slice %arg3[%add3A_433] : memref<320000xi32, #tpu.memory_space<hbm>> -> memref<80xi32, #tpu.memory_space<hbm>>
        %dma_start3A_435 = tpu.memref_slice %arg3[%add3A_433] : memref<320000xi32, #tpu.memory_space<hbm>> -> memref<80xi32, #tpu.memory_space<hbm>>
        tpu.enqueue_dma source(%dma_start3A_435 : memref<80xi32, #tpu.memory_space<hbm>>) target(%arg7 : memref<80xi32, #tpu.memory_space<vmem>>) target_semaphore(%arg32 : memref<!tpu.dma_semaphore, #tpu.memory_space<semaphore_mem>>)
        %dma_start3A_436 = tpu.memref_slice %arg4[%add3A_433] : memref<320000xi32, #tpu.memory_space<hbm>> -> memref<80xi32, #tpu.memory_space<hbm>>
        %dma_start3A_437 = tpu.memref_slice %arg4[%add3A_433] : memref<320000xi32, #tpu.memory_space<hbm>> -> memref<80xi32, #tpu.memory_space<hbm>>
        tpu.enqueue_dma source(%dma_start3A_437 : memref<80xi32, #tpu.memory_space<hbm>>) target(%arg15 : memref<80xi32, #tpu.memory_space<vmem>>) target_semaphore(%arg32 : memref<!tpu.dma_semaphore, #tpu.memory_space<semaphore_mem>>)
      } else {
      }
      %dma_wait3A_279 = arith.constant 0 : i32
      %dma_wait3A_280 = tpu.memref_slice %arg3[%dma_wait3A_279] : memref<320000xi32, #tpu.memory_space<hbm>> -> memref<80xi32, #tpu.memory_space<hbm>>
      %dma_wait3A_281 = arith.constant 0 : i32
      %dma_wait3A_282 = tpu.memref_slice %arg3[%dma_wait3A_281] : memref<320000xi32, #tpu.memory_space<hbm>> -> memref<80xi32, #tpu.memory_space<hbm>>
      tpu.wait_dma2 semaphore(%arg38 : memref<!tpu.dma_semaphore, #tpu.memory_space<semaphore_mem>>) src(%dma_wait3A_282 : memref<80xi32, #tpu.memory_space<hbm>>) dst(%arg13 : memref<80xi32, #tpu.memory_space<vmem>>)
      %dma_wait3A_283 = arith.constant 0 : i32
      %dma_wait3A_284 = tpu.memref_slice %arg4[%dma_wait3A_283] : memref<320000xi32, #tpu.memory_space<hbm>> -> memref<80xi32, #tpu.memory_space<hbm>>
      %dma_wait3A_285 = arith.constant 0 : i32
      %dma_wait3A_286 = tpu.memref_slice %arg4[%dma_wait3A_285] : memref<320000xi32, #tpu.memory_space<hbm>> -> memref<80xi32, #tpu.memory_space<hbm>>
      tpu.wait_dma2 semaphore(%arg38 : memref<!tpu.dma_semaphore, #tpu.memory_space<semaphore_mem>>) src(%dma_wait3A_286 : memref<80xi32, #tpu.memory_space<hbm>>) dst(%arg21 : memref<80xi32, #tpu.memory_space<vmem>>)
      %dma_start3A_287 = arith.constant 0 : i32
      %dma_start3A_288 = arith.constant 0 : i32
      %dma_start3A_289 = tpu.memref_slice %arg2[%dma_start3A_287, %dma_start3A_288] : memref<10000x128xf32, #tpu.memory_space<hbm>> -> memref<10000x128xf32, #tpu.memory_space<hbm>>
      tpu.enqueue_indirect_dma source(%dma_start3A_289 : memref<10000x128xf32, #tpu.memory_space<hbm>>) target(%arg25 : memref<80x128xf32, #tpu.memory_space<vmem>>) offsets(%arg13 : memref<80xi32, #tpu.memory_space<vmem>>) semaphore(%arg30 : memref<!tpu.dma_semaphore, #tpu.memory_space<semaphore_mem>>)
      %dma_wait3A_290 = arith.constant 0 : i32
      %dma_wait3A_291 = arith.constant 0 : i32
      %dma_wait3A_292 = tpu.memref_slice %arg2[%dma_wait3A_290, %dma_wait3A_291] : memref<10000x128xf32, #tpu.memory_space<hbm>> -> memref<10000x128xf32, #tpu.memory_space<hbm>>
      tpu.wait_indirect_dma semaphore(%arg28 : memref<!tpu.dma_semaphore, #tpu.memory_space<semaphore_mem>>) src(%dma_wait3A_292 : memref<10000x128xf32, #tpu.memory_space<hbm>>) dst(%arg23 : memref<80x128xf32, #tpu.memory_space<vmem>>)
      %dma_start3A_293 = arith.constant 0 : i32
      %dma_start3A_294 = arith.constant 0 : i32
      %dma_start3A_295 = tpu.memref_slice %arg26[%dma_start3A_293, %dma_start3A_294] : memref<10000x128xf32, #tpu.memory_space<vmem_shared>> -> memref<10000x128xf32, #tpu.memory_space<vmem_shared>>
      tpu.enqueue_indirect_dma source(%arg23 : memref<80x128xf32, #tpu.memory_space<vmem>>) target(%dma_start3A_295 : memref<10000x128xf32, #tpu.memory_space<vmem_shared>>) offsets(%arg19 : memref<80xi32, #tpu.memory_space<vmem>>) semaphore(%arg40 : memref<!tpu.dma_semaphore, #tpu.memory_space<semaphore_mem>>) {add = true}
      %mul3A_296 = arith.constant 8 : i32
      %mul3A_297 = arith.muli %mul3A_296, %scan3A_163 : i32
      %add3A_298 = arith.constant 2 : i32
      %add3A_299 = arith.addi %mul3A_297, %add3A_298 : i32
      %add3A_300 = arith.constant 4 : i32
      %add3A_301 = arith.addi %add3A_299, %add3A_300 : i32
      %dma_wait3A_302 = arith.constant 0 : i32
      %dma_wait3A_303 = arith.constant 0 : i32
      %dma_wait3A_304 = tpu.memref_slice %arg26[%dma_wait3A_302, %dma_wait3A_303] : memref<10000x128xf32, #tpu.memory_space<vmem_shared>> -> memref<10000x128xf32, #tpu.memory_space<vmem_shared>>
      tpu.wait_indirect_dma semaphore(%arg39 : memref<!tpu.dma_semaphore, #tpu.memory_space<semaphore_mem>>) src(%arg22 : memref<80x128xf32, #tpu.memory_space<vmem>>) dst(%dma_wait3A_304 : memref<10000x128xf32, #tpu.memory_space<vmem_shared>>)
      %add3A_305 = arith.constant 4 : i32
      %add3A_306 = arith.addi %add3A_301, %add3A_305 : i32
      %lt3A_307 = arith.constant 125 : i32
      %lt3A_308 = arith.cmpi slt, %add3A_306, %lt3A_307 : i32
      %convert_element_type3A_309 = arith.extui %lt3A_308 : i1 to i32
      %cond3A_310 = arith.constant 0 : i32
      %cond3A_311 = arith.cmpi ne, %convert_element_type3A_309, %cond3A_310 : i32
      scf.if %cond3A_311 {
        %add3A_429 = arith.constant 4 : i32
        %add3A_430 = arith.addi %add3A_301, %add3A_429 : i32
        %mul3A_431 = arith.constant 80 : i32
        %mul3A_432 = arith.muli %add3A_430, %mul3A_431 : i32
        %add3A_433 = arith.addi %mul3A_2, %mul3A_432 : i32
        %dma_start3A_434 = tpu.memref_slice %arg3[%add3A_433] : memref<320000xi32, #tpu.memory_space<hbm>> -> memref<80xi32, #tpu.memory_space<hbm>>
        %dma_start3A_435 = tpu.memref_slice %arg3[%add3A_433] : memref<320000xi32, #tpu.memory_space<hbm>> -> memref<80xi32, #tpu.memory_space<hbm>>
        tpu.enqueue_dma source(%dma_start3A_435 : memref<80xi32, #tpu.memory_space<hbm>>) target(%arg8 : memref<80xi32, #tpu.memory_space<vmem>>) target_semaphore(%arg33 : memref<!tpu.dma_semaphore, #tpu.memory_space<semaphore_mem>>)
        %dma_start3A_436 = tpu.memref_slice %arg4[%add3A_433] : memref<320000xi32, #tpu.memory_space<hbm>> -> memref<80xi32, #tpu.memory_space<hbm>>
        %dma_start3A_437 = tpu.memref_slice %arg4[%add3A_433] : memref<320000xi32, #tpu.memory_space<hbm>> -> memref<80xi32, #tpu.memory_space<hbm>>
        tpu.enqueue_dma source(%dma_start3A_437 : memref<80xi32, #tpu.memory_space<hbm>>) target(%arg16 : memref<80xi32, #tpu.memory_space<vmem>>) target_semaphore(%arg33 : memref<!tpu.dma_semaphore, #tpu.memory_space<semaphore_mem>>)
      } else {
      }
      %dma_wait3A_312 = arith.constant 0 : i32
      %dma_wait3A_313 = tpu.memref_slice %arg3[%dma_wait3A_312] : memref<320000xi32, #tpu.memory_space<hbm>> -> memref<80xi32, #tpu.memory_space<hbm>>
      %dma_wait3A_314 = arith.constant 0 : i32
      %dma_wait3A_315 = tpu.memref_slice %arg3[%dma_wait3A_314] : memref<320000xi32, #tpu.memory_space<hbm>> -> memref<80xi32, #tpu.memory_space<hbm>>
      tpu.wait_dma2 semaphore(%arg31 : memref<!tpu.dma_semaphore, #tpu.memory_space<semaphore_mem>>) src(%dma_wait3A_315 : memref<80xi32, #tpu.memory_space<hbm>>) dst(%arg6 : memref<80xi32, #tpu.memory_space<vmem>>)
      %dma_wait3A_316 = arith.constant 0 : i32
      %dma_wait3A_317 = tpu.memref_slice %arg4[%dma_wait3A_316] : memref<320000xi32, #tpu.memory_space<hbm>> -> memref<80xi32, #tpu.memory_space<hbm>>
      %dma_wait3A_318 = arith.constant 0 : i32
      %dma_wait3A_319 = tpu.memref_slice %arg4[%dma_wait3A_318] : memref<320000xi32, #tpu.memory_space<hbm>> -> memref<80xi32, #tpu.memory_space<hbm>>
      tpu.wait_dma2 semaphore(%arg31 : memref<!tpu.dma_semaphore, #tpu.memory_space<semaphore_mem>>) src(%dma_wait3A_319 : memref<80xi32, #tpu.memory_space<hbm>>) dst(%arg14 : memref<80xi32, #tpu.memory_space<vmem>>)
      %dma_start3A_320 = arith.constant 0 : i32
      %dma_start3A_321 = arith.constant 0 : i32
      %dma_start3A_322 = tpu.memref_slice %arg2[%dma_start3A_320, %dma_start3A_321] : memref<10000x128xf32, #tpu.memory_space<hbm>> -> memref<10000x128xf32, #tpu.memory_space<hbm>>
      tpu.enqueue_indirect_dma source(%dma_start3A_322 : memref<10000x128xf32, #tpu.memory_space<hbm>>) target(%arg22 : memref<80x128xf32, #tpu.memory_space<vmem>>) offsets(%arg6 : memref<80xi32, #tpu.memory_space<vmem>>) semaphore(%arg27 : memref<!tpu.dma_semaphore, #tpu.memory_space<semaphore_mem>>)
      %dma_wait3A_323 = arith.constant 0 : i32
      %dma_wait3A_324 = arith.constant 0 : i32
      %dma_wait3A_325 = tpu.memref_slice %arg2[%dma_wait3A_323, %dma_wait3A_324] : memref<10000x128xf32, #tpu.memory_space<hbm>> -> memref<10000x128xf32, #tpu.memory_space<hbm>>
      tpu.wait_indirect_dma semaphore(%arg29 : memref<!tpu.dma_semaphore, #tpu.memory_space<semaphore_mem>>) src(%dma_wait3A_325 : memref<10000x128xf32, #tpu.memory_space<hbm>>) dst(%arg24 : memref<80x128xf32, #tpu.memory_space<vmem>>)
      %dma_start3A_326 = arith.constant 0 : i32
      %dma_start3A_327 = arith.constant 0 : i32
      %dma_start3A_328 = tpu.memref_slice %arg26[%dma_start3A_326, %dma_start3A_327] : memref<10000x128xf32, #tpu.memory_space<vmem_shared>> -> memref<10000x128xf32, #tpu.memory_space<vmem_shared>>
      tpu.enqueue_indirect_dma source(%arg24 : memref<80x128xf32, #tpu.memory_space<vmem>>) target(%dma_start3A_328 : memref<10000x128xf32, #tpu.memory_space<vmem_shared>>) offsets(%arg20 : memref<80xi32, #tpu.memory_space<vmem>>) semaphore(%arg41 : memref<!tpu.dma_semaphore, #tpu.memory_space<semaphore_mem>>) {add = true}
      %mul3A_329 = arith.constant 8 : i32
      %mul3A_330 = arith.muli %mul3A_329, %scan3A_163 : i32
      %add3A_331 = arith.constant 2 : i32
      %add3A_332 = arith.addi %mul3A_330, %add3A_331 : i32
      %add3A_333 = arith.constant 5 : i32
      %add3A_334 = arith.addi %add3A_332, %add3A_333 : i32
      %dma_wait3A_335 = arith.constant 0 : i32
      %dma_wait3A_336 = arith.constant 0 : i32
      %dma_wait3A_337 = tpu.memref_slice %arg26[%dma_wait3A_335, %dma_wait3A_336] : memref<10000x128xf32, #tpu.memory_space<vmem_shared>> -> memref<10000x128xf32, #tpu.memory_space<vmem_shared>>
      tpu.wait_indirect_dma semaphore(%arg40 : memref<!tpu.dma_semaphore, #tpu.memory_space<semaphore_mem>>) src(%arg23 : memref<80x128xf32, #tpu.memory_space<vmem>>) dst(%dma_wait3A_337 : memref<10000x128xf32, #tpu.memory_space<vmem_shared>>)
      %add3A_338 = arith.constant 4 : i32
      %add3A_339 = arith.addi %add3A_334, %add3A_338 : i32
      %lt3A_340 = arith.constant 125 : i32
      %lt3A_341 = arith.cmpi slt, %add3A_339, %lt3A_340 : i32
      %convert_element_type3A_342 = arith.extui %lt3A_341 : i1 to i32
      %cond3A_343 = arith.constant 0 : i32
      %cond3A_344 = arith.cmpi ne, %convert_element_type3A_342, %cond3A_343 : i32
      scf.if %cond3A_344 {
        %add3A_429 = arith.constant 4 : i32
        %add3A_430 = arith.addi %add3A_334, %add3A_429 : i32
        %mul3A_431 = arith.constant 80 : i32
        %mul3A_432 = arith.muli %add3A_430, %mul3A_431 : i32
        %add3A_433 = arith.addi %mul3A_2, %mul3A_432 : i32
        %dma_start3A_434 = tpu.memref_slice %arg3[%add3A_433] : memref<320000xi32, #tpu.memory_space<hbm>> -> memref<80xi32, #tpu.memory_space<hbm>>
        %dma_start3A_435 = tpu.memref_slice %arg3[%add3A_433] : memref<320000xi32, #tpu.memory_space<hbm>> -> memref<80xi32, #tpu.memory_space<hbm>>
        tpu.enqueue_dma source(%dma_start3A_435 : memref<80xi32, #tpu.memory_space<hbm>>) target(%arg9 : memref<80xi32, #tpu.memory_space<vmem>>) target_semaphore(%arg34 : memref<!tpu.dma_semaphore, #tpu.memory_space<semaphore_mem>>)
        %dma_start3A_436 = tpu.memref_slice %arg4[%add3A_433] : memref<320000xi32, #tpu.memory_space<hbm>> -> memref<80xi32, #tpu.memory_space<hbm>>
        %dma_start3A_437 = tpu.memref_slice %arg4[%add3A_433] : memref<320000xi32, #tpu.memory_space<hbm>> -> memref<80xi32, #tpu.memory_space<hbm>>
        tpu.enqueue_dma source(%dma_start3A_437 : memref<80xi32, #tpu.memory_space<hbm>>) target(%arg17 : memref<80xi32, #tpu.memory_space<vmem>>) target_semaphore(%arg34 : memref<!tpu.dma_semaphore, #tpu.memory_space<semaphore_mem>>)
      } else {
      }
      %dma_wait3A_345 = arith.constant 0 : i32
      %dma_wait3A_346 = tpu.memref_slice %arg3[%dma_wait3A_345] : memref<320000xi32, #tpu.memory_space<hbm>> -> memref<80xi32, #tpu.memory_space<hbm>>
      %dma_wait3A_347 = arith.constant 0 : i32
      %dma_wait3A_348 = tpu.memref_slice %arg3[%dma_wait3A_347] : memref<320000xi32, #tpu.memory_space<hbm>> -> memref<80xi32, #tpu.memory_space<hbm>>
      tpu.wait_dma2 semaphore(%arg32 : memref<!tpu.dma_semaphore, #tpu.memory_space<semaphore_mem>>) src(%dma_wait3A_348 : memref<80xi32, #tpu.memory_space<hbm>>) dst(%arg7 : memref<80xi32, #tpu.memory_space<vmem>>)
      %dma_wait3A_349 = arith.constant 0 : i32
      %dma_wait3A_350 = tpu.memref_slice %arg4[%dma_wait3A_349] : memref<320000xi32, #tpu.memory_space<hbm>> -> memref<80xi32, #tpu.memory_space<hbm>>
      %dma_wait3A_351 = arith.constant 0 : i32
      %dma_wait3A_352 = tpu.memref_slice %arg4[%dma_wait3A_351] : memref<320000xi32, #tpu.memory_space<hbm>> -> memref<80xi32, #tpu.memory_space<hbm>>
      tpu.wait_dma2 semaphore(%arg32 : memref<!tpu.dma_semaphore, #tpu.memory_space<semaphore_mem>>) src(%dma_wait3A_352 : memref<80xi32, #tpu.memory_space<hbm>>) dst(%arg15 : memref<80xi32, #tpu.memory_space<vmem>>)
      %dma_start3A_353 = arith.constant 0 : i32
      %dma_start3A_354 = arith.constant 0 : i32
      %dma_start3A_355 = tpu.memref_slice %arg2[%dma_start3A_353, %dma_start3A_354] : memref<10000x128xf32, #tpu.memory_space<hbm>> -> memref<10000x128xf32, #tpu.memory_space<hbm>>
      tpu.enqueue_indirect_dma source(%dma_start3A_355 : memref<10000x128xf32, #tpu.memory_space<hbm>>) target(%arg23 : memref<80x128xf32, #tpu.memory_space<vmem>>) offsets(%arg7 : memref<80xi32, #tpu.memory_space<vmem>>) semaphore(%arg28 : memref<!tpu.dma_semaphore, #tpu.memory_space<semaphore_mem>>)
      %dma_wait3A_356 = arith.constant 0 : i32
      %dma_wait3A_357 = arith.constant 0 : i32
      %dma_wait3A_358 = tpu.memref_slice %arg2[%dma_wait3A_356, %dma_wait3A_357] : memref<10000x128xf32, #tpu.memory_space<hbm>> -> memref<10000x128xf32, #tpu.memory_space<hbm>>
      tpu.wait_indirect_dma semaphore(%arg30 : memref<!tpu.dma_semaphore, #tpu.memory_space<semaphore_mem>>) src(%dma_wait3A_358 : memref<10000x128xf32, #tpu.memory_space<hbm>>) dst(%arg25 : memref<80x128xf32, #tpu.memory_space<vmem>>)
      %dma_start3A_359 = arith.constant 0 : i32
      %dma_start3A_360 = arith.constant 0 : i32
      %dma_start3A_361 = tpu.memref_slice %arg26[%dma_start3A_359, %dma_start3A_360] : memref<10000x128xf32, #tpu.memory_space<vmem_shared>> -> memref<10000x128xf32, #tpu.memory_space<vmem_shared>>
      tpu.enqueue_indirect_dma source(%arg25 : memref<80x128xf32, #tpu.memory_space<vmem>>) target(%dma_start3A_361 : memref<10000x128xf32, #tpu.memory_space<vmem_shared>>) offsets(%arg21 : memref<80xi32, #tpu.memory_space<vmem>>) semaphore(%arg42 : memref<!tpu.dma_semaphore, #tpu.memory_space<semaphore_mem>>) {add = true}
      %mul3A_362 = arith.constant 8 : i32
      %mul3A_363 = arith.muli %mul3A_362, %scan3A_163 : i32
      %add3A_364 = arith.constant 2 : i32
      %add3A_365 = arith.addi %mul3A_363, %add3A_364 : i32
      %add3A_366 = arith.constant 6 : i32
      %add3A_367 = arith.addi %add3A_365, %add3A_366 : i32
      %dma_wait3A_368 = arith.constant 0 : i32
      %dma_wait3A_369 = arith.constant 0 : i32
      %dma_wait3A_370 = tpu.memref_slice %arg26[%dma_wait3A_368, %dma_wait3A_369] : memref<10000x128xf32, #tpu.memory_space<vmem_shared>> -> memref<10000x128xf32, #tpu.memory_space<vmem_shared>>
      tpu.wait_indirect_dma semaphore(%arg41 : memref<!tpu.dma_semaphore, #tpu.memory_space<semaphore_mem>>) src(%arg24 : memref<80x128xf32, #tpu.memory_space<vmem>>) dst(%dma_wait3A_370 : memref<10000x128xf32, #tpu.memory_space<vmem_shared>>)
      %add3A_371 = arith.constant 4 : i32
      %add3A_372 = arith.addi %add3A_367, %add3A_371 : i32
      %lt3A_373 = arith.constant 125 : i32
      %lt3A_374 = arith.cmpi slt, %add3A_372, %lt3A_373 : i32
      %convert_element_type3A_375 = arith.extui %lt3A_374 : i1 to i32
      %cond3A_376 = arith.constant 0 : i32
      %cond3A_377 = arith.cmpi ne, %convert_element_type3A_375, %cond3A_376 : i32
      scf.if %cond3A_377 {
        %add3A_429 = arith.constant 4 : i32
        %add3A_430 = arith.addi %add3A_367, %add3A_429 : i32
        %mul3A_431 = arith.constant 80 : i32
        %mul3A_432 = arith.muli %add3A_430, %mul3A_431 : i32
        %add3A_433 = arith.addi %mul3A_2, %mul3A_432 : i32
        %dma_start3A_434 = tpu.memref_slice %arg3[%add3A_433] : memref<320000xi32, #tpu.memory_space<hbm>> -> memref<80xi32, #tpu.memory_space<hbm>>
        %dma_start3A_435 = tpu.memref_slice %arg3[%add3A_433] : memref<320000xi32, #tpu.memory_space<hbm>> -> memref<80xi32, #tpu.memory_space<hbm>>
        tpu.enqueue_dma source(%dma_start3A_435 : memref<80xi32, #tpu.memory_space<hbm>>) target(%arg10 : memref<80xi32, #tpu.memory_space<vmem>>) target_semaphore(%arg35 : memref<!tpu.dma_semaphore, #tpu.memory_space<semaphore_mem>>)
        %dma_start3A_436 = tpu.memref_slice %arg4[%add3A_433] : memref<320000xi32, #tpu.memory_space<hbm>> -> memref<80xi32, #tpu.memory_space<hbm>>
        %dma_start3A_437 = tpu.memref_slice %arg4[%add3A_433] : memref<320000xi32, #tpu.memory_space<hbm>> -> memref<80xi32, #tpu.memory_space<hbm>>
        tpu.enqueue_dma source(%dma_start3A_437 : memref<80xi32, #tpu.memory_space<hbm>>) target(%arg18 : memref<80xi32, #tpu.memory_space<vmem>>) target_semaphore(%arg35 : memref<!tpu.dma_semaphore, #tpu.memory_space<semaphore_mem>>)
      } else {
      }
      %dma_wait3A_378 = arith.constant 0 : i32
      %dma_wait3A_379 = tpu.memref_slice %arg3[%dma_wait3A_378] : memref<320000xi32, #tpu.memory_space<hbm>> -> memref<80xi32, #tpu.memory_space<hbm>>
      %dma_wait3A_380 = arith.constant 0 : i32
      %dma_wait3A_381 = tpu.memref_slice %arg3[%dma_wait3A_380] : memref<320000xi32, #tpu.memory_space<hbm>> -> memref<80xi32, #tpu.memory_space<hbm>>
      tpu.wait_dma2 semaphore(%arg33 : memref<!tpu.dma_semaphore, #tpu.memory_space<semaphore_mem>>) src(%dma_wait3A_381 : memref<80xi32, #tpu.memory_space<hbm>>) dst(%arg8 : memref<80xi32, #tpu.memory_space<vmem>>)
      %dma_wait3A_382 = arith.constant 0 : i32
      %dma_wait3A_383 = tpu.memref_slice %arg4[%dma_wait3A_382] : memref<320000xi32, #tpu.memory_space<hbm>> -> memref<80xi32, #tpu.memory_space<hbm>>
      %dma_wait3A_384 = arith.constant 0 : i32
      %dma_wait3A_385 = tpu.memref_slice %arg4[%dma_wait3A_384] : memref<320000xi32, #tpu.memory_space<hbm>> -> memref<80xi32, #tpu.memory_space<hbm>>
      tpu.wait_dma2 semaphore(%arg33 : memref<!tpu.dma_semaphore, #tpu.memory_space<semaphore_mem>>) src(%dma_wait3A_385 : memref<80xi32, #tpu.memory_space<hbm>>) dst(%arg16 : memref<80xi32, #tpu.memory_space<vmem>>)
      %dma_start3A_386 = arith.constant 0 : i32
      %dma_start3A_387 = arith.constant 0 : i32
      %dma_start3A_388 = tpu.memref_slice %arg2[%dma_start3A_386, %dma_start3A_387] : memref<10000x128xf32, #tpu.memory_space<hbm>> -> memref<10000x128xf32, #tpu.memory_space<hbm>>
      tpu.enqueue_indirect_dma source(%dma_start3A_388 : memref<10000x128xf32, #tpu.memory_space<hbm>>) target(%arg24 : memref<80x128xf32, #tpu.memory_space<vmem>>) offsets(%arg8 : memref<80xi32, #tpu.memory_space<vmem>>) semaphore(%arg29 : memref<!tpu.dma_semaphore, #tpu.memory_space<semaphore_mem>>)
      %dma_wait3A_389 = arith.constant 0 : i32
      %dma_wait3A_390 = arith.constant 0 : i32
      %dma_wait3A_391 = tpu.memref_slice %arg2[%dma_wait3A_389, %dma_wait3A_390] : memref<10000x128xf32, #tpu.memory_space<hbm>> -> memref<10000x128xf32, #tpu.memory_space<hbm>>
      tpu.wait_indirect_dma semaphore(%arg27 : memref<!tpu.dma_semaphore, #tpu.memory_space<semaphore_mem>>) src(%dma_wait3A_391 : memref<10000x128xf32, #tpu.memory_space<hbm>>) dst(%arg22 : memref<80x128xf32, #tpu.memory_space<vmem>>)
      %dma_start3A_392 = arith.constant 0 : i32
      %dma_start3A_393 = arith.constant 0 : i32
      %dma_start3A_394 = tpu.memref_slice %arg26[%dma_start3A_392, %dma_start3A_393] : memref<10000x128xf32, #tpu.memory_space<vmem_shared>> -> memref<10000x128xf32, #tpu.memory_space<vmem_shared>>
      tpu.enqueue_indirect_dma source(%arg22 : memref<80x128xf32, #tpu.memory_space<vmem>>) target(%dma_start3A_394 : memref<10000x128xf32, #tpu.memory_space<vmem_shared>>) offsets(%arg14 : memref<80xi32, #tpu.memory_space<vmem>>) semaphore(%arg39 : memref<!tpu.dma_semaphore, #tpu.memory_space<semaphore_mem>>) {add = true}
      %mul3A_395 = arith.constant 8 : i32
      %mul3A_396 = arith.muli %mul3A_395, %scan3A_163 : i32
      %add3A_397 = arith.constant 2 : i32
      %add3A_398 = arith.addi %mul3A_396, %add3A_397 : i32
      %add3A_399 = arith.constant 7 : i32
      %add3A_400 = arith.addi %add3A_398, %add3A_399 : i32
      %dma_wait3A_401 = arith.constant 0 : i32
      %dma_wait3A_402 = arith.constant 0 : i32
      %dma_wait3A_403 = tpu.memref_slice %arg26[%dma_wait3A_401, %dma_wait3A_402] : memref<10000x128xf32, #tpu.memory_space<vmem_shared>> -> memref<10000x128xf32, #tpu.memory_space<vmem_shared>>
      tpu.wait_indirect_dma semaphore(%arg42 : memref<!tpu.dma_semaphore, #tpu.memory_space<semaphore_mem>>) src(%arg25 : memref<80x128xf32, #tpu.memory_space<vmem>>) dst(%dma_wait3A_403 : memref<10000x128xf32, #tpu.memory_space<vmem_shared>>)
      %add3A_404 = arith.constant 4 : i32
      %add3A_405 = arith.addi %add3A_400, %add3A_404 : i32
      %lt3A_406 = arith.constant 125 : i32
      %lt3A_407 = arith.cmpi slt, %add3A_405, %lt3A_406 : i32
      %convert_element_type3A_408 = arith.extui %lt3A_407 : i1 to i32
      %cond3A_409 = arith.constant 0 : i32
      %cond3A_410 = arith.cmpi ne, %convert_element_type3A_408, %cond3A_409 : i32
      scf.if %cond3A_410 {
        %add3A_429 = arith.constant 4 : i32
        %add3A_430 = arith.addi %add3A_400, %add3A_429 : i32
        %mul3A_431 = arith.constant 80 : i32
        %mul3A_432 = arith.muli %add3A_430, %mul3A_431 : i32
        %add3A_433 = arith.addi %mul3A_2, %mul3A_432 : i32
        %dma_start3A_434 = tpu.memref_slice %arg3[%add3A_433] : memref<320000xi32, #tpu.memory_space<hbm>> -> memref<80xi32, #tpu.memory_space<hbm>>
        %dma_start3A_435 = tpu.memref_slice %arg3[%add3A_433] : memref<320000xi32, #tpu.memory_space<hbm>> -> memref<80xi32, #tpu.memory_space<hbm>>
        tpu.enqueue_dma source(%dma_start3A_435 : memref<80xi32, #tpu.memory_space<hbm>>) target(%arg11 : memref<80xi32, #tpu.memory_space<vmem>>) target_semaphore(%arg36 : memref<!tpu.dma_semaphore, #tpu.memory_space<semaphore_mem>>)
        %dma_start3A_436 = tpu.memref_slice %arg4[%add3A_433] : memref<320000xi32, #tpu.memory_space<hbm>> -> memref<80xi32, #tpu.memory_space<hbm>>
        %dma_start3A_437 = tpu.memref_slice %arg4[%add3A_433] : memref<320000xi32, #tpu.memory_space<hbm>> -> memref<80xi32, #tpu.memory_space<hbm>>
        tpu.enqueue_dma source(%dma_start3A_437 : memref<80xi32, #tpu.memory_space<hbm>>) target(%arg19 : memref<80xi32, #tpu.memory_space<vmem>>) target_semaphore(%arg36 : memref<!tpu.dma_semaphore, #tpu.memory_space<semaphore_mem>>)
      } else {
      }
      %dma_wait3A_411 = arith.constant 0 : i32
      %dma_wait3A_412 = tpu.memref_slice %arg3[%dma_wait3A_411] : memref<320000xi32, #tpu.memory_space<hbm>> -> memref<80xi32, #tpu.memory_space<hbm>>
      %dma_wait3A_413 = arith.constant 0 : i32
      %dma_wait3A_414 = tpu.memref_slice %arg3[%dma_wait3A_413] : memref<320000xi32, #tpu.memory_space<hbm>> -> memref<80xi32, #tpu.memory_space<hbm>>
      tpu.wait_dma2 semaphore(%arg34 : memref<!tpu.dma_semaphore, #tpu.memory_space<semaphore_mem>>) src(%dma_wait3A_414 : memref<80xi32, #tpu.memory_space<hbm>>) dst(%arg9 : memref<80xi32, #tpu.memory_space<vmem>>)
      %dma_wait3A_415 = arith.constant 0 : i32
      %dma_wait3A_416 = tpu.memref_slice %arg4[%dma_wait3A_415] : memref<320000xi32, #tpu.memory_space<hbm>> -> memref<80xi32, #tpu.memory_space<hbm>>
      %dma_wait3A_417 = arith.constant 0 : i32
      %dma_wait3A_418 = tpu.memref_slice %arg4[%dma_wait3A_417] : memref<320000xi32, #tpu.memory_space<hbm>> -> memref<80xi32, #tpu.memory_space<hbm>>
      tpu.wait_dma2 semaphore(%arg34 : memref<!tpu.dma_semaphore, #tpu.memory_space<semaphore_mem>>) src(%dma_wait3A_418 : memref<80xi32, #tpu.memory_space<hbm>>) dst(%arg17 : memref<80xi32, #tpu.memory_space<vmem>>)
      %dma_start3A_419 = arith.constant 0 : i32
      %dma_start3A_420 = arith.constant 0 : i32
      %dma_start3A_421 = tpu.memref_slice %arg2[%dma_start3A_419, %dma_start3A_420] : memref<10000x128xf32, #tpu.memory_space<hbm>> -> memref<10000x128xf32, #tpu.memory_space<hbm>>
      tpu.enqueue_indirect_dma source(%dma_start3A_421 : memref<10000x128xf32, #tpu.memory_space<hbm>>) target(%arg25 : memref<80x128xf32, #tpu.memory_space<vmem>>) offsets(%arg9 : memref<80xi32, #tpu.memory_space<vmem>>) semaphore(%arg30 : memref<!tpu.dma_semaphore, #tpu.memory_space<semaphore_mem>>)
      %dma_wait3A_422 = arith.constant 0 : i32
      %dma_wait3A_423 = arith.constant 0 : i32
      %dma_wait3A_424 = tpu.memref_slice %arg2[%dma_wait3A_422, %dma_wait3A_423] : memref<10000x128xf32, #tpu.memory_space<hbm>> -> memref<10000x128xf32, #tpu.memory_space<hbm>>
      tpu.wait_indirect_dma semaphore(%arg28 : memref<!tpu.dma_semaphore, #tpu.memory_space<semaphore_mem>>) src(%dma_wait3A_424 : memref<10000x128xf32, #tpu.memory_space<hbm>>) dst(%arg23 : memref<80x128xf32, #tpu.memory_space<vmem>>)
      %dma_start3A_425 = arith.constant 0 : i32
      %dma_start3A_426 = arith.constant 0 : i32
      %dma_start3A_427 = tpu.memref_slice %arg26[%dma_start3A_425, %dma_start3A_426] : memref<10000x128xf32, #tpu.memory_space<vmem_shared>> -> memref<10000x128xf32, #tpu.memory_space<vmem_shared>>
      tpu.enqueue_indirect_dma source(%arg23 : memref<80x128xf32, #tpu.memory_space<vmem>>) target(%dma_start3A_427 : memref<10000x128xf32, #tpu.memory_space<vmem_shared>>) offsets(%arg15 : memref<80xi32, #tpu.memory_space<vmem>>) semaphore(%arg40 : memref<!tpu.dma_semaphore, #tpu.memory_space<semaphore_mem>>) {add = true}
      %scan3A_428 = arith.constant 0 : i32
      scf.yield %scan3A_428 : i32
    }
    %scan3A_105 = arith.constant 15 : i32
    %dma_wait3A_106 = arith.constant 0 : i32
    %dma_wait3A_107 = arith.constant 0 : i32
    %dma_wait3A_108 = tpu.memref_slice %arg26[%dma_wait3A_106, %dma_wait3A_107] : memref<10000x128xf32, #tpu.memory_space<vmem_shared>> -> memref<10000x128xf32, #tpu.memory_space<vmem_shared>>
    tpu.wait_indirect_dma semaphore(%arg39 : memref<!tpu.dma_semaphore, #tpu.memory_space<semaphore_mem>>) src(%arg22 : memref<80x128xf32, #tpu.memory_space<vmem>>) dst(%dma_wait3A_108 : memref<10000x128xf32, #tpu.memory_space<vmem_shared>>)
    %dma_wait3A_109 = arith.constant 0 : i32
    %dma_wait3A_110 = tpu.memref_slice %arg3[%dma_wait3A_109] : memref<320000xi32, #tpu.memory_space<hbm>> -> memref<80xi32, #tpu.memory_space<hbm>>
    %dma_wait3A_111 = arith.constant 0 : i32
    %dma_wait3A_112 = tpu.memref_slice %arg3[%dma_wait3A_111] : memref<320000xi32, #tpu.memory_space<hbm>> -> memref<80xi32, #tpu.memory_space<hbm>>
    tpu.wait_dma2 semaphore(%arg35 : memref<!tpu.dma_semaphore, #tpu.memory_space<semaphore_mem>>) src(%dma_wait3A_112 : memref<80xi32, #tpu.memory_space<hbm>>) dst(%arg10 : memref<80xi32, #tpu.memory_space<vmem>>)
    %dma_wait3A_113 = arith.constant 0 : i32
    %dma_wait3A_114 = tpu.memref_slice %arg4[%dma_wait3A_113] : memref<320000xi32, #tpu.memory_space<hbm>> -> memref<80xi32, #tpu.memory_space<hbm>>
    %dma_wait3A_115 = arith.constant 0 : i32
    %dma_wait3A_116 = tpu.memref_slice %arg4[%dma_wait3A_115] : memref<320000xi32, #tpu.memory_space<hbm>> -> memref<80xi32, #tpu.memory_space<hbm>>
    tpu.wait_dma2 semaphore(%arg35 : memref<!tpu.dma_semaphore, #tpu.memory_space<semaphore_mem>>) src(%dma_wait3A_116 : memref<80xi32, #tpu.memory_space<hbm>>) dst(%arg18 : memref<80xi32, #tpu.memory_space<vmem>>)
    %dma_start3A_117 = arith.constant 0 : i32
    %dma_start3A_118 = arith.constant 0 : i32
    %dma_start3A_119 = tpu.memref_slice %arg2[%dma_start3A_117, %dma_start3A_118] : memref<10000x128xf32, #tpu.memory_space<hbm>> -> memref<10000x128xf32, #tpu.memory_space<hbm>>
    tpu.enqueue_indirect_dma source(%dma_start3A_119 : memref<10000x128xf32, #tpu.memory_space<hbm>>) target(%arg22 : memref<80x128xf32, #tpu.memory_space<vmem>>) offsets(%arg10 : memref<80xi32, #tpu.memory_space<vmem>>) semaphore(%arg27 : memref<!tpu.dma_semaphore, #tpu.memory_space<semaphore_mem>>)
    %dma_wait3A_120 = arith.constant 0 : i32
    %dma_wait3A_121 = arith.constant 0 : i32
    %dma_wait3A_122 = tpu.memref_slice %arg2[%dma_wait3A_120, %dma_wait3A_121] : memref<10000x128xf32, #tpu.memory_space<hbm>> -> memref<10000x128xf32, #tpu.memory_space<hbm>>
    tpu.wait_indirect_dma semaphore(%arg29 : memref<!tpu.dma_semaphore, #tpu.memory_space<semaphore_mem>>) src(%dma_wait3A_122 : memref<10000x128xf32, #tpu.memory_space<hbm>>) dst(%arg24 : memref<80x128xf32, #tpu.memory_space<vmem>>)
    %dma_start3A_123 = arith.constant 0 : i32
    %dma_start3A_124 = arith.constant 0 : i32
    %dma_start3A_125 = tpu.memref_slice %arg26[%dma_start3A_123, %dma_start3A_124] : memref<10000x128xf32, #tpu.memory_space<vmem_shared>> -> memref<10000x128xf32, #tpu.memory_space<vmem_shared>>
    tpu.enqueue_indirect_dma source(%arg24 : memref<80x128xf32, #tpu.memory_space<vmem>>) target(%dma_start3A_125 : memref<10000x128xf32, #tpu.memory_space<vmem_shared>>) offsets(%arg16 : memref<80xi32, #tpu.memory_space<vmem>>) semaphore(%arg41 : memref<!tpu.dma_semaphore, #tpu.memory_space<semaphore_mem>>) {add = true}
    %dma_wait3A_126 = arith.constant 0 : i32
    %dma_wait3A_127 = arith.constant 0 : i32
    %dma_wait3A_128 = tpu.memref_slice %arg26[%dma_wait3A_126, %dma_wait3A_127] : memref<10000x128xf32, #tpu.memory_space<vmem_shared>> -> memref<10000x128xf32, #tpu.memory_space<vmem_shared>>
    tpu.wait_indirect_dma semaphore(%arg40 : memref<!tpu.dma_semaphore, #tpu.memory_space<semaphore_mem>>) src(%arg23 : memref<80x128xf32, #tpu.memory_space<vmem>>) dst(%dma_wait3A_128 : memref<10000x128xf32, #tpu.memory_space<vmem_shared>>)
    %dma_wait3A_129 = arith.constant 0 : i32
    %dma_wait3A_130 = arith.constant 0 : i32
    %dma_wait3A_131 = tpu.memref_slice %arg2[%dma_wait3A_129, %dma_wait3A_130] : memref<10000x128xf32, #tpu.memory_space<hbm>> -> memref<10000x128xf32, #tpu.memory_space<hbm>>
    tpu.wait_indirect_dma semaphore(%arg30 : memref<!tpu.dma_semaphore, #tpu.memory_space<semaphore_mem>>) src(%dma_wait3A_131 : memref<10000x128xf32, #tpu.memory_space<hbm>>) dst(%arg25 : memref<80x128xf32, #tpu.memory_space<vmem>>)
    %dma_start3A_132 = arith.constant 0 : i32
    %dma_start3A_133 = arith.constant 0 : i32
    %dma_start3A_134 = tpu.memref_slice %arg26[%dma_start3A_132, %dma_start3A_133] : memref<10000x128xf32, #tpu.memory_space<vmem_shared>> -> memref<10000x128xf32, #tpu.memory_space<vmem_shared>>
    tpu.enqueue_indirect_dma source(%arg25 : memref<80x128xf32, #tpu.memory_space<vmem>>) target(%dma_start3A_134 : memref<10000x128xf32, #tpu.memory_space<vmem_shared>>) offsets(%arg17 : memref<80xi32, #tpu.memory_space<vmem>>) semaphore(%arg42 : memref<!tpu.dma_semaphore, #tpu.memory_space<semaphore_mem>>) {add = true}
    %dma_wait3A_135 = arith.constant 0 : i32
    %dma_wait3A_136 = arith.constant 0 : i32
    %dma_wait3A_137 = tpu.memref_slice %arg26[%dma_wait3A_135, %dma_wait3A_136] : memref<10000x128xf32, #tpu.memory_space<vmem_shared>> -> memref<10000x128xf32, #tpu.memory_space<vmem_shared>>
    tpu.wait_indirect_dma semaphore(%arg41 : memref<!tpu.dma_semaphore, #tpu.memory_space<semaphore_mem>>) src(%arg24 : memref<80x128xf32, #tpu.memory_space<vmem>>) dst(%dma_wait3A_137 : memref<10000x128xf32, #tpu.memory_space<vmem_shared>>)
    %dma_wait3A_138 = arith.constant 0 : i32
    %dma_wait3A_139 = arith.constant 0 : i32
    %dma_wait3A_140 = tpu.memref_slice %arg2[%dma_wait3A_138, %dma_wait3A_139] : memref<10000x128xf32, #tpu.memory_space<hbm>> -> memref<10000x128xf32, #tpu.memory_space<hbm>>
    tpu.wait_indirect_dma semaphore(%arg27 : memref<!tpu.dma_semaphore, #tpu.memory_space<semaphore_mem>>) src(%dma_wait3A_140 : memref<10000x128xf32, #tpu.memory_space<hbm>>) dst(%arg22 : memref<80x128xf32, #tpu.memory_space<vmem>>)
    %dma_start3A_141 = arith.constant 0 : i32
    %dma_start3A_142 = arith.constant 0 : i32
    %dma_start3A_143 = tpu.memref_slice %arg26[%dma_start3A_141, %dma_start3A_142] : memref<10000x128xf32, #tpu.memory_space<vmem_shared>> -> memref<10000x128xf32, #tpu.memory_space<vmem_shared>>
    tpu.enqueue_indirect_dma source(%arg22 : memref<80x128xf32, #tpu.memory_space<vmem>>) target(%dma_start3A_143 : memref<10000x128xf32, #tpu.memory_space<vmem_shared>>) offsets(%arg18 : memref<80xi32, #tpu.memory_space<vmem>>) semaphore(%arg39 : memref<!tpu.dma_semaphore, #tpu.memory_space<semaphore_mem>>) {add = true}
    %dma_wait3A_144 = arith.constant 0 : i32
    %dma_wait3A_145 = arith.constant 0 : i32
    %dma_wait3A_146 = tpu.memref_slice %arg26[%dma_wait3A_144, %dma_wait3A_145] : memref<10000x128xf32, #tpu.memory_space<vmem_shared>> -> memref<10000x128xf32, #tpu.memory_space<vmem_shared>>
    tpu.wait_indirect_dma semaphore(%arg42 : memref<!tpu.dma_semaphore, #tpu.memory_space<semaphore_mem>>) src(%arg25 : memref<80x128xf32, #tpu.memory_space<vmem>>) dst(%dma_wait3A_146 : memref<10000x128xf32, #tpu.memory_space<vmem_shared>>)
    %dma_wait3A_147 = arith.constant 0 : i32
    %dma_wait3A_148 = arith.constant 0 : i32
    %dma_wait3A_149 = tpu.memref_slice %arg26[%dma_wait3A_147, %dma_wait3A_148] : memref<10000x128xf32, #tpu.memory_space<vmem_shared>> -> memref<10000x128xf32, #tpu.memory_space<vmem_shared>>
    tpu.wait_indirect_dma semaphore(%arg39 : memref<!tpu.dma_semaphore, #tpu.memory_space<semaphore_mem>>) src(%arg22 : memref<80x128xf32, #tpu.memory_space<vmem>>) dst(%dma_wait3A_149 : memref<10000x128xf32, #tpu.memory_space<vmem_shared>>)
    %barrier3A_150 = arith.constant 0 : index
    tpu.barrier barrier_id(%barrier3A_150)
    %mul3A_151 = arith.constant 624 : i32
    %mul3A_152 = arith.muli %arg1, %mul3A_151 : i32
    %mul3A_153 = arith.constant 10000 : i32
    %mul3A_154 = arith.muli %arg0, %mul3A_153 : i32
    %mul3A_155 = arith.constant 624 : i32
    %mul3A_156 = arith.muli %arg1, %mul3A_155 : i32
    %add3A_157 = arith.addi %mul3A_154, %mul3A_156 : i32
    "tpu.region"() ({
      %run_scoped3A = tpu.sem_alloc : memref<!tpu.dma_semaphore, #tpu.memory_space<semaphore_mem>>
      %dma_start3A_163 = arith.constant 0 : i32
      %dma_start3A_164 = tpu.memref_slice %arg5[%add3A_157, %dma_start3A_163] : memref<20000x128xf32, #tpu.memory_space<hbm>> -> memref<624x128xf32, #tpu.memory_space<hbm>>
      %dma_start3A_165 = arith.constant 0 : i32
      %dma_start3A_166 = tpu.memref_slice %arg26[%mul3A_152, %dma_start3A_165] : memref<10000x128xf32, #tpu.memory_space<vmem_shared>> -> memref<624x128xf32, #tpu.memory_space<vmem_shared>>
      tpu.enqueue_dma source(%dma_start3A_166 : memref<624x128xf32, #tpu.memory_space<vmem_shared>>) target(%dma_start3A_164 : memref<624x128xf32, #tpu.memory_space<hbm>>) target_semaphore(%run_scoped3A : memref<!tpu.dma_semaphore, #tpu.memory_space<semaphore_mem>>)
      %dma_wait3A_167 = arith.constant 0 : i32
      %dma_wait3A_168 = tpu.memref_slice %arg5[%add3A_157, %dma_wait3A_167] : memref<20000x128xf32, #tpu.memory_space<hbm>> -> memref<624x128xf32, #tpu.memory_space<hbm>>
      %dma_wait3A_169 = arith.constant 0 : i32
      %dma_wait3A_170 = tpu.memref_slice %arg26[%mul3A_152, %dma_wait3A_169] : memref<10000x128xf32, #tpu.memory_space<vmem_shared>> -> memref<624x128xf32, #tpu.memory_space<vmem_shared>>
      tpu.wait_dma2 semaphore(%run_scoped3A : memref<!tpu.dma_semaphore, #tpu.memory_space<semaphore_mem>>) src(%dma_wait3A_170 : memref<624x128xf32, #tpu.memory_space<vmem_shared>>) dst(%dma_wait3A_168 : memref<624x128xf32, #tpu.memory_space<hbm>>)
      tpu.yield
    }) : () -> ()
    %eq3A_158 = arith.constant 15 : i32
    %eq3A_159 = arith.cmpi eq, %arg1, %eq3A_158 : i32
    %convert_element_type3A_160 = arith.extui %eq3A_159 : i1 to i32
    %cond3A_161 = arith.constant 0 : i32
    %cond3A_162 = arith.cmpi ne, %convert_element_type3A_160, %cond3A_161 : i32
    scf.if %cond3A_162 {
      %mul3A_163 = arith.constant 10000 : i32
      %mul3A_164 = arith.muli %arg0, %mul3A_163 : i32
      %add3A_165 = arith.constant 9984 : i32
      %add3A_166 = arith.addi %mul3A_164, %add3A_165 : i32
      "tpu.region"() ({
        %run_scoped3A = tpu.sem_alloc : memref<!tpu.dma_semaphore, #tpu.memory_space<semaphore_mem>>
        %dma_start3A_167 = arith.constant 0 : i32
        %dma_start3A_168 = tpu.memref_slice %arg5[%add3A_166, %dma_start3A_167] : memref<20000x128xf32, #tpu.memory_space<hbm>> -> memref<16x128xf32, #tpu.memory_space<hbm>>
        %dma_start3A_169 = arith.constant 9984 : i32
        %dma_start3A_170 = arith.constant 0 : i32
        %dma_start3A_171 = tpu.memref_slice %arg26[%dma_start3A_169, %dma_start3A_170] : memref<10000x128xf32, #tpu.memory_space<vmem_shared>> -> memref<16x128xf32, #tpu.memory_space<vmem_shared>>
        tpu.enqueue_dma source(%dma_start3A_171 : memref<16x128xf32, #tpu.memory_space<vmem_shared>>) target(%dma_start3A_168 : memref<16x128xf32, #tpu.memory_space<hbm>>) target_semaphore(%run_scoped3A : memref<!tpu.dma_semaphore, #tpu.memory_space<semaphore_mem>>)
        %dma_wait3A_172 = arith.constant 0 : i32
        %dma_wait3A_173 = tpu.memref_slice %arg5[%add3A_166, %dma_wait3A_172] : memref<20000x128xf32, #tpu.memory_space<hbm>> -> memref<16x128xf32, #tpu.memory_space<hbm>>
        %dma_wait3A_174 = arith.constant 9984 : i32
        %dma_wait3A_175 = arith.constant 0 : i32
        %dma_wait3A_176 = tpu.memref_slice %arg26[%dma_wait3A_174, %dma_wait3A_175] : memref<10000x128xf32, #tpu.memory_space<vmem_shared>> -> memref<16x128xf32, #tpu.memory_space<vmem_shared>>
        tpu.wait_dma2 semaphore(%run_scoped3A : memref<!tpu.dma_semaphore, #tpu.memory_space<semaphore_mem>>) src(%dma_wait3A_176 : memref<16x128xf32, #tpu.memory_space<vmem_shared>>) dst(%dma_wait3A_173 : memref<16x128xf32, #tpu.memory_space<hbm>>)
        tpu.yield
      }) : () -> ()
    } else {
    }
    return
  }
}

</mosaic_0001>

<sc_bundles>
// kernel: _sc_scatter_add.3.cloned.1.call-start
scs
__scs_entry_jumppad:
0x0: {  	(pc) =	sbr.rel $0x88, $3  }
0x1: {  	(tag) =	ssettag $0x0;
	lr =	simm.s32 $0x1  }
0x2: {  	[smem:$0x3F9E] =	sst lr;
	_ =	strace $0xD0000000  }
0x3: {  	_ = 	snop  }
0x4: {  	_ = 	snop  }
0x5: {  	_ = 	snop  }
0x6: {  	_ = 	snop  }
0x7: {  	_ = 	snop  }
__scs_overlays_trampoline_lowered:
0x8: {  	[smem:$0x3FAD] =	sst s0  }
0x9: {  	[smem:$0x3FAE] =	sst s1  }
0xa: {  	[smem:$0x3FAF] =	sst s2  }
0xb: {  	[smem:$0x3FB0] =	sst s3  }
0xc: {  	[smem:$0x3FB1] =	sst s4  }
0xd: {  	[smem:$0x3FB2] =	sst s5  }
0xe: {  	[smem:$0x3FB3] =	sst s6  }
0xf: {  	[smem:$0x3FB4] =	sst s7  }
0x10: {  	[smem:$0x3FB5] =	sst s8  }
0x11: {  	[smem:$0x3FB6] =	sst s9;
	s0 =	simm.s32 @!p0 $0x0  }
0x12: {  	s1 =	sld [smem:$0x3F9C];
	s0 =	simm.s32 @p0 $0x1  }
0x13: {  	[smem:$0x3FB7] =	sst s0;
	s0 =	simm.s32 @!p1 $0x0  }
0x14: {  	s2 =	sld [smem:$0x3F9B];
	s0 =	simm.s32 @p1 $0x1  }
0x15: {  	[smem:$0x3FB8] =	sst s0;
	s0 =	simm.s32 @!p2 $0x0  }
0x16: {  	s3 =	sld [smem:$0x3FDB];
	s0 =	simm.s32 @p2 $0x1  }
0x17: {  	s4 =	simm.s32 $0x1BF5;
	[smem:$0x3FBA] =	sst s0  }
0x18: {  	s0 =	sld [smem:$0x3F9D];
	_ =	swait.ge [sflag:s4], $0x0  }
0x19: {  	s7 =	sld [smem:$0x3F9E]  }
0x1a: {  	s8 =	sadd.s32 $0xFFFFE003, lr  }
0x1b: {  	s9 =	sadd.s32 $0xFFFFFEF7, lr;
	s5 =	simm.s32 $0xFFFFFFFF;
	p2 =	slt.u32 s8, $0xFFFFF086  }
0x1c: {  	p1 =	slt.u32 s9, $0xF7A;
	s5 =	simm.s32 @!p2 $0x0  }
0x1d: {  	s5 =	simm.s32 @p1 $0x1;
	p0 =	seq.s32 s7, s2  }
0x1e: {  	s7 =	smul.u32 @!p0 $0xF7A, s2;
	p2 =	seq.s32 @!p0 s5, $0x0  }
0x1f: {  	s9 =	smul.u32 $0xF7A, s1;
	s8 =	simm.s32 @!p0 $0x1BF5;
	p2 =	por !p2, p0  }
0x20: {  	[sflag:s8] =	ssyncset.s32 @!p0 $0xFFFFF086;
	s6 =	sadd.s32 @!p0 s3, s7;
	s7 =	simm.s32 @!p0 $0x108  }
0x21: {  	s3 =	sadd.s32 s3, s9;
	s6 =	sadd.s32 @!p0 $0x88, s6;
	s7 =	simm.s32 @p2 $0x1082  }
0x22: {  	[simem:s7], [sflag:s8] =	dma.local @!p0 [hbm:s6], $0xF7A  }
0x23: {  	s9 =	sor.u32 $0xD0000000, s2;
	s6 =	simm.s32 $0x108;
	_ =	swait.ge @!p0 [sflag:s8], $0x0  }
0x24: {  	s3 =	sadd.s32 $0x88, s3;
	s6 =	simm.s32 @!p1 $0x1082;
	[sflag:s4] =	ssyncset.s32 $0xFFFFF086  }
0x25: {  	[simem:s6], [sflag:s4] =	dma.local [hbm:s3], $0xF7A  }
0x26: {  	[smem:$0x3F9E] =	sst s1;
	(tag) =	ssettag s2;
	_ =	strace s9  }
0x27: {  	s1 =	sld [smem:$0x3FAE]  }
0x28: {  	s2 =	sld [smem:$0x3FAF]  }
0x29: {  	s4 =	sld [smem:$0x3FB1]  }
0x2a: {  	p0 =	seq.s32 s5, $0x0;
	s5 =	sld [smem:$0x3FB2]  }
0x2b: {  	s6 =	sld [smem:$0x3FB3]  }
0x2c: {  	s7 =	sld [smem:$0x3FB4]  }
0x2d: {  	s3 =	simm.s32 $0x108;
	s8 =	sld [smem:$0x3FB5]  }
0x2e: {  	s3 =	simm.s32 @!p0 $0x1082;
	s9 =	sld [smem:$0x3FB6]  }
0x2f: {  	lr =	sadd.s32 s0, s3;
	s0 =	sld [smem:$0x3FAD]  }
0x30: {  	s3 =	sld [smem:$0x3FB0]  }
0x31: {  	[smem:$0x3FB9] =	sst s10  }
0x32: {  	s10 =	sld [smem:$0x3FB7];
	_ =	sdelay $0x3  }
0x33: {  	p0 =	seq.s32 s10, $0x1;
	s10 =	sld [smem:$0x3FB9];
	_ =	sdelay $0x3  }
0x34: {  	[smem:$0x3FB9] =	sst s10  }
0x35: {  	s10 =	sld [smem:$0x3FB8];
	_ =	sdelay $0x3  }
0x36: {  	p1 =	seq.s32 s10, $0x1;
	s10 =	sld [smem:$0x3FB9];
	_ =	sdelay $0x3  }
0x37: {  	[smem:$0x3FB9] =	sst s10  }
0x38: {  	s10 =	sld [smem:$0x3FBA]  }
0x39: {  	_ = 	snop;
	(pc) =	sbr.ind lr, $3  }
0x3a: {  	_ = 	snop  }
0x3b: {  	_ = 	snop  }
0x3c: {  	p2 =	seq.s32 s10, $0x1;
	s10 =	sld [smem:$0x3FB9]  }
0x3d: {  	_ =	shalt  }
0x3e: {  	_ =	shalt  }
0x3f: {  	_ =	shalt  }
0x40: {  	_ =	shalt  }
0x41: {  	_ =	shalt  }
0x42: {  	_ =	shalt  }
0x43: {  	_ =	shalt  }
0x44: {  	_ =	shalt  }
0x45: {  	_ =	shalt  }
0x46: {  	_ =	shalt  }
0x47: {  	_ =	shalt  }
0x48: {  	_ =	shalt  }
0x49: {  	_ =	shalt  }
0x4a: {  	_ =	shalt  }
0x4b: {  	_ =	shalt  }
0x4c: {  	_ =	shalt  }
0x4d: {  	_ =	shalt  }
0x4e: {  	_ =	shalt  }
0x4f: {  	_ =	shalt  }
0x50: {  	_ =	shalt  }
0x51: {  	_ =	shalt  }
0x52: {  	_ =	shalt  }
0x53: {  	_ =	shalt  }
0x54: {  	_ =	shalt  }
0x55: {  	_ =	shalt  }
0x56: {  	_ =	shalt  }
0x57: {  	_ =	shalt  }
0x58: {  	_ =	shalt  }
0x59: {  	_ =	shalt  }
0x5a: {  	_ =	shalt  }
0x5b: {  	_ =	shalt  }
0x5c: {  	_ =	shalt  }
0x5d: {  	_ =	shalt  }
0x5e: {  	_ =	shalt  }
0x5f: {  	_ =	shalt  }
0x60: {  	_ =	shalt  }
0x61: {  	_ =	shalt  }
0x62: {  	_ =	shalt  }
0x63: {  	_ =	shalt  }
0x64: {  	_ =	shalt  }
0x65: {  	_ =	shalt  }
0x66: {  	_ =	shalt  }
0x67: {  	_ =	shalt  }
0x68: {  	_ =	shalt  }
0x69: {  	_ =	shalt  }
0x6a: {  	_ =	shalt  }
0x6b: {  	_ =	shalt  }
0x6c: {  	_ =	shalt  }
0x6d: {  	_ =	shalt  }
0x6e: {  	_ =	shalt  }
0x6f: {  	_ =	shalt  }
0x70: {  	_ =	shalt  }
0x71: {  	_ =	shalt  }
0x72: {  	_ =	shalt  }
0x73: {  	_ =	shalt  }
0x74: {  	_ =	shalt  }
0x75: {  	_ =	shalt  }
0x76: {  	_ =	shalt  }
0x77: {  	_ =	shalt  }
0x78: {  	_ =	shalt  }
0x79: {  	_ =	shalt  }
0x7a: {  	_ =	shalt  }
0x7b: {  	_ =	shalt  }
0x7c: {  	_ =	shalt  }
0x7d: {  	_ =	shalt  }
0x7e: {  	_ =	shalt  }
0x7f: {  	_ =	shalt  }
0x80: {  	_ =	shalt  }
0x81: {  	_ =	shalt  }
0x82: {  	_ =	shalt  }
0x83: {  	_ =	shalt  }
0x84: {  	_ =	shalt  }
0x85: {  	_ =	shalt  }
0x86: {  	_ =	shalt  }
0x87: {  	_ =	shalt  }
.Lfunc_end0:
.L_simem_size_0:
called_computation_lowered:
.L_overlay_start_0:
0x88: {  	s2 =	sld [smem:$0x3FD9]  }
0x89: {  	s3 =	sld [smem:$0x3FFE];
	_ =	sdelay $0x1  }
0x8a: {  	s1 =	srdreg.scid  }
0x8b: {  	s0 =	sand.u32 $0x1, s1  }
0x8c: {  	s18 =	sshll.u32 s0, $0xA;
	s2 =	sadd.s32 s3, s2  }
0x8d: {  	s2 =	sadd.s32 s2, s18  }
0x8e: {  	[smem:$0x3FC5] =	sst s2  }
0x8f: {  	_ = 	snop  }
0x90: {  	s2 =	sld [smem:$0x3FC9]  }
0x91: {  	s19 =	sld [smem:$0x3FC8]  }
0x92: {  	s4 =	sld [smem:$0x3FC7]  }
0x93: {  	s5 =	sld [smem:$0x3FD0];
	(tm) =	ssettm $0x1  }
0x94: {  	s6 =	sld [smem:$0x3FFB];
	_ =	sdelay $0x3  }
0x95: {  	_ =	strace s6  }
0x96: {  	s6 =	sld [smem:$0x3FFC];
	_ =	sdelay $0x3  }
0x97: {  	_ =	strace s6  }
0x98: {  	s6 =	sld [smem:$0x3FFD];
	_ =	sdelay $0x3  }
0x99: {  	_ =	strace s6  }
0x9a: {  	_ =	strace $0x8FFFFFFF  }
0x9b: {  	s20 =	sld [smem:$0x3FDB];
	_ =	sdelay $0x1  }
0x9c: {  	s7 =	simm.s32 $_scs_section_size  }
0x9d: {  	s8 =	simm.s32 $_size__tile_overlayer_lowered;
	s9 =	simm.s32 $_tile_overlayer_lowered  }
0x9e: {  	s23 =	simm.s32 $0x1BFF;
	s22 =	sshll.u32 s9, $0x1;
	s6 =	sadd.s32 s7, s20  }
0x9f: {  	s10 =	simm.s32 $0x0;
	s21 =	sshll.u32 s8, $0x1;
	s8 =	sadd.s32 s22, s6  }
0xa0: {  	[timem:s10], [sflag:s23] =	dma.local [hbm:s8], s21  }
0xa1: {  	_ =	swait.ge [sflag:s23], s21  }
0xa2: {  	s7 =	ssub.s32 $0x0, s21;
	[sflag:s23] =	ssyncset.done $0x0  }
0xa3: {  	[sflag:s23] =	ssyncadd.s32 s7;
	_ =	sdelay $0x1  }
0xa4: {  	s24 =	simm.s32 $0x1B8B  }
0xa5: {  	_ =	swait.ge [sflag:s24], $0x1  }
0xa6: {  	[sflag:s24] =	ssyncset.done $0x0  }
0xa7: {  	s25 =	simm.s32 $0x1B8E;
	[sflag:s24] =	ssyncadd.s32 $0xFFFFFFFF  }
0xa8: {  	s26 =	simm.s32 $execute0_lowered;
	[smem:$0x3FD2] =	sst s25  }
0xa9: {  	s7 =	sshll.u32 s26, $0x1;
	_ =	strace $0x80000046;
	[dreg:$0x1] =	wrdreg $0xFFFFFFFF  }
0xaa: {  	s28 =	simm.s32 $_size_execute0_lowered;
	s6 =	sadd.s32 s6, s7;
	[dreg:$0x0] =	wrdreg $0x0  }
0xab: {  	s7 =	sshll.u32 s28, $0x1;
	[dreg:$0x2] =	wrdreg s6  }
0xac: {  	[dreg:$0x3] =	wrdreg s7  }
0xad: {  	[dreg:$0x4] =	wrdreg $0xC0  }
0xae: {  	_ =	task [dreg:s10], $0x5FFFF  }
0xaf: {  	[dreg:$0x1] =	wrdreg $0xFFFFFFFF  }
0xb0: {  	[dreg:$0x0] =	wrdreg $0x60  }
0xb1: {  	[dreg:$0x2] =	wrdreg s2  }
0xb2: {  	[dreg:$0x3] =	wrdreg s19  }
0xb3: {  	[dreg:$0x4] =	wrdreg s4  }
0xb4: {  	[dreg:$0x5] =	wrdreg s5  }
0xb5: {  	[dreg:$0x6] =	wrdreg $0xA8000  }
0xb6: {  	[dreg:$0x7] =	wrdreg $0x9  }
0xb7: {  	_ =	task.clear_ibuf [dreg:s10], $0x8FFFF;
	_ =	strace $0x90000046  }
0xb8: {  	s29 =	simm.s32 $0x9;
	_ =	strace $0x80000048  }
0xb9: {  	_ =	swait.ge [sflag:s29], $0x1  }
0xba: {  	[sflag:s29] =	ssyncadd.s32 $0xFFFFFFFF  }
0xbb: {  	_ =	strace $0x90000048  }
0xbc: {  	_ =	sfence  }
0xbd: {  	s30 =	sld [smem:$0x0];
	_ =	sdelay $0x2  }
0xbe: {  	s31 =	sshll.u32 s1, $0xD;
	s1 =	sshrl.u32 s1, $0x2  }
0xbf: {  	s3 =	sand.u32 $0x4000, s31;
	s1 =	sadd.s32 s1, s30  }
0xc0: {  	s0 =	sor.u32 s3, s0;
	s1 =	sshll.u32 s1, $0x11  }
0xc1: {  	s0 =	sor.u32 s1, s0  }
0xc2: {  	s0 =	sadd.s32 $0x8F2B, s0  }
0xc3: {  	[sflag:s0] =	ssyncadd.remote.s32 $0x1  }
0xc4: {  	_ =	sfence.sel $0xFFFF  }
0xc5: {  	[dreg:$0x0] =	wrdreg $0xFFFFFFFF;
	(pc) =	sbr.abs _section_cstart, $3  }
0xc6: {  	[dreg:$0x1] =	wrdreg $0xFFFFFFFF  }
0xc7: {  	_ =	task.clear_ibuf [dreg:s10], $0x2FFFF;
	_ =	strace $0x9FFFFFFF  }
0xc8: {  	(tm) =	ssettm $0x7FFFFFFF  }
0xc9: {  	_ =	shalt  }
tec
execute0_lowered:
.L_overlay_start_1:
0x0: {  	(tag) =	ssettag $0x1  }
0x1: {  	s5 =	rddreg [dreg:$0x0]  }
0x2: {  	s0 =	rddreg [dreg:$0x1]  }
0x3: {  	s1 =	srdreg.scid;
	s13 =	rddreg [dreg:$0x2]  }
0x4: {  	s12 =	stileid.u32;
	s23 =	rddreg [dreg:$0x4];
	s6 =	simm.s32 $0x0  }
0x5: {  	s31 =	simm.s32 $0x100;
	s30 =	simm.s32 $0x500;
	s28 =	simm.s32 $0x300  }
0x6: {  	s29 =	simm.s32 $0x780;
	s3 =	sand.u32 $0x1, s1;
	s20 =	smul.u32 $0x4E000, s12  }
0x7: {  	s1 =	rddreg [dreg:$0x3];
	s21 =	smul.u32 $0x2700, s12;
	s2 =	sshll.u32 s3, $0x4  }
0x8: {  	[smem:$0x7FF] =	sst s6;
	s17 =	smul.u32 $0x27100, s3;
	s2 =	sor.u32 s12, s2  }
0x9: {  	s7 =	ssub.s32 $0x2, s3;
	_ =	strace $0x80000047;
	s2 =	smul.u32 $0x2710, s2  }
0xa: {  	p0 =	seq.s32 s3, $0x1;
	s3 =	smul.u32 $0x138800, s3;
	s22 =	sadd.s32 s5, s21  }
0xb: {  	s8 =	sshrl.u32 s7, $0x1;
	[dreg:$0x1d] =	wrdreg s22;
	s4 =	sshrl.u32 s2, $0x3  }
0xc: {  	s3 =	sshrl.u32 s3, $0x3;
	s2 =	ssub.s32 s7, s8;
	s11 =	sadd.s32 s0, s4  }
0xd: {  	s8 =	sadd.s32 s21, s17;
	s14 =	sadd.s32 s13, s4;
	[dreg:$0x14] =	wrdreg s11  }
0xe: {  	s10 =	sadd.s32 $0xA, s4;
	s8 =	sadd.s32 s1, s8;
	[dreg:$0x15] =	wrdreg s14  }
0xf: {  	s16 =	sadd.s32 $0x14, s4;
	s15 =	sadd.s32 s0, s10;
	[dreg:$0x1f] =	wrdreg s8  }
0x10: {  	s18 =	sadd.s32 $0x1E, s4;
	s7 =	sadd.s32 s13, s10;
	[dreg:$0x16] =	wrdreg s15  }
0x11: {  	s1 =	sadd.s32 s1, s3;
	s9 =	sadd.s32 s0, s16;
	[dreg:$0x17] =	wrdreg s7  }
0x12: {  	s10 =	smul.u32 $0x2710, s12;
	s19 =	sadd.s32 s0, s18;
	[dreg:$0x18] =	wrdreg s9  }
0x13: {  	s1 =	sadd.s32 $0x27000, s1;
	s7 =	sadd.s32 s13, s16;
	[dreg:$0x1a] =	wrdreg s19  }
0x14: {  	s9 =	sadd.s32 s13, s18;
	[smem:$0x7F3] =	sst s1;
	s10 =	sadd.s32 s10, s17  }
0x15: {  	[dreg:$0x19] =	wrdreg s7;
	s7 =	sshrl.u32 s20, $0x2;
	s11 =	sadd.s32 $0x2D0, s10  }
0x16: {  	[dreg:$0x1b] =	wrdreg s9;
	s15 =	sadd.s32 s7, s23;
	s24 =	sshrl.u32 s11, $0x3  }
0x17: {  	s26 =	sadd.s32 $0x320, s10;
	[dreg:$0x1c] =	wrdreg s15;
	s25 =	sadd.s32 s24, s13  }
0x18: {  	s14 =	sshrl.u32 s26, $0x3;
	s7 =	sadd.s32 s24, s0;
	[dreg:$0x6] =	wrdreg s25  }
0x19: {  	s17 =	sadd.s32 $0x370, s10;
	s16 =	sadd.s32 s14, s13;
	[dreg:$0x7] =	wrdreg s7  }
0x1a: {  	s19 =	sshrl.u32 s17, $0x3;
	s18 =	sadd.s32 s14, s0;
	[dreg:$0x8] =	wrdreg s16  }
0x1b: {  	p1 =	sne.s32 s12, $0xF;
	s20 =	sadd.s32 s19, s13;
	[dreg:$0x9] =	wrdreg s18  }
0x1c: {  	s21 =	sadd.s32 $0x3C0, s10;
	s22 =	sadd.s32 s19, s0;
	[dreg:$0xa] =	wrdreg s20  }
0x1d: {  	s24 =	sshrl.u32 s21, $0x3;
	s19 =	sadd.s32 $0x138000, s23;
	[dreg:$0xb] =	wrdreg s22  }
0x1e: {  	s26 =	sadd.s32 $0x410, s10;
	s25 =	sadd.s32 s24, s13;
	[dreg:$0x1e] =	wrdreg s19  }
0x1f: {  	s11 =	sshrl.u32 s26, $0x3;
	s9 =	sadd.s32 s24, s0;
	[dreg:$0xc] =	wrdreg s25  }
0x20: {  	s12 =	simm.s32 $0xD;
	s14 =	sadd.s32 s11, s13;
	[dreg:$0xd] =	wrdreg s9  }
0x21: {  	s21 =	sadd.s32 $0x1E0, s10;
	s17 =	sadd.s32 s11, s0;
	[dreg:$0xe] =	wrdreg s14  }
0x22: {  	s7 =	sshrl.u32 s21, $0x3;
	s19 =	sadd.s32 $0x7800, s15;
	[dreg:$0xf] =	wrdreg s17  }
0x23: {  	s1 =	simm.s32 $0x5;
	s24 =	sadd.s32 s7, s13;
	[smem:$0x7F9] =	sst s19  }
0x24: {  	s16 =	sadd.s32 $0x230, s10;
	s7 =	sadd.s32 s7, s0;
	[dreg:$0x12] =	wrdreg s24  }
0x25: {  	s21 =	smov.u32 s13;
	s14 =	sadd.s32 $0x280, s10;
	[dreg:$0x13] =	wrdreg s7  }
0x26: {  	s18 =	sshrl.u32 s16, $0x3;
	s16 =	sadd.s32 $0x27000, s5;
	[smem:$0x7F5] =	sst s14  }
0x27: {  	s25 =	sadd.s32 $0x28, s4;
	s17 =	sadd.s32 $0x2800, s15;
	[smem:$0x7F6] =	sst s16  }
0x28: {  	s4 =	sadd.s32 $0x32, s4;
	s20 =	sadd.s32 s18, s13;
	[smem:$0x7F7] =	sst s17  }
0x29: {  	s10 =	simm.s32 $0x80;
	s22 =	sadd.s32 s18, s0;
	[dreg:$0x10] =	wrdreg s20  }
0x2a: {  	s19 =	simm.s32 $0x1;
	s26 =	sadd.s32 s0, s25;
	[dreg:$0x11] =	wrdreg s22  }
0x2b: {  	s3 =	sadd.s32 s13, s25;
	s9 =	sadd.s32 s0, s4;
	[smem:$0x7EF] =	sst s26  }
0x2c: {  	s11 =	sadd.s32 s13, s4;
	s13 =	smax.u32 s2, $0x1;
	[smem:$0x7F0] =	sst s3  }
0x2d: {  	s18 =	sadd.s32 $0x5000, s15;
	s24 =	sadd.s32 $0xC800, s15;
	[smem:$0x7F1] =	sst s9  }
0x2e: {  	s25 =	sadd.s32 $0xF000, s15;
	s14 =	simm.s32 $0x580;
	[smem:$0x7F2] =	sst s11  }
0x2f: {  	s7 =	simm.s32 $0x50;
	s17 =	simm.s32 $0x2;
	[smem:$0x7F4] =	sst s13  }
0x30: {  	s2 =	simm.s32 $0x9;
	s4 =	simm.s32 $0x380;
	[smem:$0x7F8] =	sst s18  }
0x31: {  	s16 =	simm.s32 $0x0;
	s20 =	smov.u32 s0;
	[smem:$0x7FB] =	sst s24  }
0x32: {  	s22 =	sadd.s32 $0xA000, s15;
	[smem:$0x7FC] =	sst s25;
	s26 =	sadd.s32 $0x11800, s15  }
0x33: {  	s11 =	simm.s32 $0x400;
	s0 =	simm.s32 $0x480;
	s13 =	simm.s32 $0x180  }
0x34: {  	s25 =	simm.s32 $0x800;
	s9 =	simm.s32 $0x6;
	s18 =	simm.s32 $0x7  }
0x35: {  	s3 =	simm.s32 $0x3;
	s24 =	simm.s32 $0xE;
	[smem:$0x7FA] =	sst s22  }
0x36: {  	v0 =	vimm.f32 $0.0e+00;
	[smem:$0x7FD] =	sst s26;
	s26 =	simm.s32 $0x3000;
	s22 =	simm.s32 $0x8  }
.LBB2_1:
0x37: {  	s8 =	rddreg [dreg:$0x14]  }
0x38: {  	[tilespmem:s6], [sflag:$0x5] =	stream.linear.gather [hbm4b:s8+s6], $0x50, $0x38;
	[tilespmem:$0x1E080] =	vst v63  }
0x39: {  	s8 =	rddreg [dreg:$0x15]  }
0x3a: {  	[tilespmem:s11], [sflag:$0x5] =	stream.linear.gather [hbm4b:s8+s6], $0x50, $0x38;
	[tilespmem:$0x1E080] =	vst v63  }
0x3b: {  	s11 =	rddreg [dreg:$0x16]  }
0x3c: {  	[tilespmem:s10], [sflag:$0x6] =	stream.linear.gather [hbm4b:s11+s6], $0x50, $0x38;
	[tilespmem:$0x1E080] =	vst v63  }
0x3d: {  	s11 =	rddreg [dreg:$0x17]  }
0x3e: {  	[tilespmem:s0], [sflag:$0x6] =	stream.linear.gather [hbm4b:s11+s6], $0x50, $0x38;
	[tilespmem:$0x1E080] =	vst v63  }
0x3f: {  	s11 =	rddreg [dreg:$0x18]  }
0x40: {  	[tilespmem:s31], [sflag:$0x7] =	stream.linear.gather [hbm4b:s11+s6], $0x50, $0x38;
	[tilespmem:$0x1E080] =	vst v63  }
0x41: {  	s11 =	rddreg [dreg:$0x19]  }
0x42: {  	[tilespmem:s30], [sflag:$0x7] =	stream.linear.gather [hbm4b:s11+s6], $0x50, $0x38;
	[tilespmem:$0x1E080] =	vst v63  }
0x43: {  	s11 =	rddreg [dreg:$0x1a]  }
0x44: {  	[tilespmem:s13], [sflag:$0x8] =	stream.linear.gather [hbm4b:s11+s6], $0x50, $0x38;
	[tilespmem:$0x1E080] =	vst v63  }
0x45: {  	s30 =	rddreg [dreg:$0x1b]  }
0x46: {  	[tilespmem:s14], [sflag:$0x8] =	stream.linear.gather [hbm4b:s30+s6], $0x50, $0x38;
	[tilespmem:$0x1E080] =	vst v63  }
0x47: {  	_ =	swait.ge [sflag:s1], $0x50  }
0x48: {  	[sflag:s1] =	ssyncset.done $0x0  }
0x49: {  	[sflag:s1] =	ssyncadd.s32 $0xFFFFFFB0  }
0x4a: {  	_ =	swait.ge [sflag:s1], $0x50  }
0x4b: {  	[sflag:s1] =	ssyncset.done $0x0  }
0x4c: {  	[sflag:s1] =	ssyncadd.s32 $0xFFFFFFB0  }
0x4d: {  	[tilespmem:s25], [sflag:$0x1] =	stream.indirect.gather [hbm4b:s5+s7], $0x80, s6, s7, $0xb8;
	[tilespmem:$0x1E080] =	vst v63  }
0x4e: {  	_ =	swait.ge [sflag:s9], $0x50  }
0x4f: {  	[sflag:s9] =	ssyncset.done $0x0  }
0x50: {  	[sflag:s9] =	ssyncadd.s32 $0xFFFFFFB0  }
.Ltmp0:
0x51: {  	_ =	swait.ge [sflag:s9], $0x50;
	(pc) =	sbr.rel @!p0 .LBB2_2-.Ltmp0, $4  }
0x52: {  	[sflag:s9] =	ssyncset.done $0x0;
	s8 =	rddreg [dreg:$0x1e]  }
0x53: {  	[smem:$0x7ED] =	sst s16;
	[sflag:s9] =	ssyncadd.s32 $0xFFFFFFB0;
	s1 =	sshrl.u32 @!p1 s8, $0x3  }
0x54: {  	[tilespmem:s26], [sflag:$0x2] =	stream.indirect.gather [hbm4b:s5+s7], $0x80, s10, s7, $0xb8;
	[tilespmem:$0x1E080] =	vst v63  }
0x55: {  	s25 =	simm.s32 $0x3000;
	[smem:$0x7EE] =	sst s1  }
0x56: {  	s13 =	sshra.s32 s6, $0x2  }
0x57: {  	s14 =	sadd.s32 $0x200, s6;
	s26 =	simm.s32 $0x5800;
	s9 =	simm.s32 $0x700  }
.LBB2_4:
0x58: {  	p2 =	sne.s32 s14, $0x9E00;
	[tilespmem:s13+$0x5870] =	vst v0  }
0x59: {  	[tilespmem:s13+$0x5800] =	vst v0  }
0x5a: {  	[tilespmem:s13+$0x5810] =	vst v0  }
.Ltmp1:
0x5b: {  	[tilespmem:s13+$0x5820] =	vst v0;
	(pc) =	sbr.rel @p2 .LBB2_4-.Ltmp1, $4  }
0x5c: {  	[tilespmem:s13+$0x5830] =	vst v0  }
0x5d: {  	[tilespmem:s13+$0x5840] =	vst v0  }
0x5e: {  	[tilespmem:s13+$0x5850] =	vst v0  }
0x5f: {  	[tilespmem:s13+$0x5860] =	vst v0;
	s13 =	sshra.s32 s14, $0x2;
	s14 =	sadd.s32 $0x200, s14  }
0x60: {  	[tilespmem:s13+$0x5870] =	vst v0  }
0x61: {  	[tilespmem:s13+$0x5800] =	vst v0  }
0x62: {  	[tilespmem:s13+$0x5810] =	vst v0  }
0x63: {  	[tilespmem:s13+$0x5820] =	vst v0  }
0x64: {  	[tilespmem:s13+$0x5830] =	vst v0  }
0x65: {  	[tilespmem:s13+$0x5840] =	vst v0  }
0x66: {  	[tilespmem:s13+$0x5850] =	vst v0  }
0x67: {  	[tilespmem:s13+$0x5860] =	vst v0;
	s13 =	simm.s32 $0x11  }
0x68: {  	[spmem:s15] =	stream.linear.scatter [tilespmem:s26], [sflag:$0x11], $0x2800, $0x38;
	[tilespmem:$0x1E080] =	vst v63  }
0x69: {  	_ =	swait.ge [sflag:s13], $0x2800  }
0x6a: {  	s8 =	sld [smem:$0x7F7]  }
0x6b: {  	[sflag:s13] =	ssyncset.done $0x0  }
0x6c: {  	[sflag:s13] =	ssyncadd.s32 $0xFFFFD800  }
0x6d: {  	[spmem:s8] =	stream.linear.scatter [tilespmem:s26], [sflag:$0x11], $0x2800, $0x38;
	[tilespmem:$0x1E080] =	vst v63  }
0x6e: {  	_ =	swait.ge [sflag:s13], $0x2800  }
0x6f: {  	s1 =	sld [smem:$0x7F8]  }
0x70: {  	[sflag:s13] =	ssyncset.done $0x0  }
0x71: {  	[sflag:s13] =	ssyncadd.s32 $0xFFFFD800  }
0x72: {  	[spmem:s1] =	stream.linear.scatter [tilespmem:s26], [sflag:$0x11], $0x2800, $0x38;
	[tilespmem:$0x1E080] =	vst v63  }
0x73: {  	_ =	swait.ge [sflag:s13], $0x2800  }
0x74: {  	s11 =	sld [smem:$0x7F9]  }
0x75: {  	[sflag:s13] =	ssyncset.done $0x0  }
0x76: {  	[sflag:s13] =	ssyncadd.s32 $0xFFFFD800  }
0x77: {  	[spmem:s11] =	stream.linear.scatter [tilespmem:s26], [sflag:$0x11], $0x2800, $0x38;
	[tilespmem:$0x1E080] =	vst v63  }
0x78: {  	_ =	swait.ge [sflag:s13], $0x2800  }
0x79: {  	s14 =	sld [smem:$0x7FA]  }
0x7a: {  	[sflag:s13] =	ssyncset.done $0x0  }
0x7b: {  	[sflag:s13] =	ssyncadd.s32 $0xFFFFD800  }
0x7c: {  	[spmem:s14] =	stream.linear.scatter [tilespmem:s26], [sflag:$0x11], $0x2800, $0x38;
	[tilespmem:$0x1E080] =	vst v63  }
0x7d: {  	_ =	swait.ge [sflag:s13], $0x2800  }
0x7e: {  	s15 =	sld [smem:$0x7FB]  }
0x7f: {  	[sflag:s13] =	ssyncset.done $0x0  }
0x80: {  	[sflag:s13] =	ssyncadd.s32 $0xFFFFD800  }
0x81: {  	[spmem:s15] =	stream.linear.scatter [tilespmem:s26], [sflag:$0x11], $0x2800, $0x38;
	[tilespmem:$0x1E080] =	vst v63  }
0x82: {  	_ =	swait.ge [sflag:s13], $0x2800  }
0x83: {  	s16 =	sld [smem:$0x7FC]  }
0x84: {  	[sflag:s13] =	ssyncset.done $0x0  }
0x85: {  	[sflag:s13] =	ssyncadd.s32 $0xFFFFD800  }
0x86: {  	[spmem:s16] =	stream.linear.scatter [tilespmem:s26], [sflag:$0x11], $0x2800, $0x38;
	[tilespmem:$0x1E080] =	vst v63  }
0x87: {  	_ =	swait.ge [sflag:s13], $0x2800  }
0x88: {  	s30 =	sld [smem:$0x7FD]  }
0x89: {  	[sflag:s13] =	ssyncset.done $0x0  }
0x8a: {  	[sflag:s13] =	ssyncadd.s32 $0xFFFFD800  }
0x8b: {  	[spmem:s30] =	stream.linear.scatter [tilespmem:s26], [sflag:$0x11], $0x2000, $0x38;
	[tilespmem:$0x1E080] =	vst v63  }
0x8c: {  	_ =	swait.ge [sflag:s13], $0x2000  }
0x8d: {  	[sflag:s13] =	ssyncset.done $0x0  }
0x8e: {  	s8 =	rddreg [dreg:$0x1e];
	[sflag:s13] =	ssyncadd.s32 $0xFFFFE000;
	s13 =	simm.s32 @!p1 $0x5800  }
0x8f: {  	[spmem:s8] =	stream.linear.scatter @!p1 [tilespmem:s13], [sflag:$0x11], $0x800, $0x38;
	[tilespmem:$0x1E080] =	vst v63  }
.Ltmp2:
0x90: {  	_ = 	snop;
	(pc) =	sbr.rel .LBB2_6-.Ltmp2, $4  }
0x91: {  	s13 =	simm.s32 @!p1 $0x11  }
0x92: {  	_ =	swait.ge @!p1 [sflag:s13], $0x800  }
0x93: {  	[sflag:s13] =	ssyncset.done @!p1 $0x0  }
0x94: {  	[sflag:s13] =	ssyncadd.s32 @!p1 $0xFFFFF800  }
.LBB2_2:
0x95: {  	s8 =	stileid.u32  }
0x96: {  	s13 =	sshll.u32 s8, $0x6  }
0x97: {  	s14 =	sshrl.u32 s15, $0x3;
	s30 =	rddreg [dreg:$0x1d];
	s13 =	sor.u32 $0x1C0D, s13  }
0x98: {  	[spmem:s14], [sflag:s13] =	dma.local [hbm:s30], $0x2700  }
0x99: {  	s8 =	sld [smem:$0x7F6];
	_ =	sdelay $0x2  }
0x9a: {  	[spmem:s1], [sflag:s13] =	dma.local @!p1 [hbm:s8], $0x100  }
0x9b: {  	s13 =	simm.s32 @!p1 $0xD  }
0x9c: {  	_ =	swait.ge @!p1 [sflag:s13], $0x100  }
0x9d: {  	[sflag:s13] =	ssyncset.done @!p1 $0x0  }
0x9e: {  	[sflag:s13] =	ssyncadd.s32 @!p1 $0xFFFFFF00  }
0x9f: {  	_ =	swait.ge [sflag:s12], $0x2700  }
0xa0: {  	[sflag:s12] =	ssyncset.done $0x0  }
0xa1: {  	s26 =	simm.s32 $0x5800;
	s9 =	simm.s32 $0x700;
	[sflag:s12] =	ssyncadd.s32 $0xFFFFD900  }
.LBB2_6:
0xa2: {  	[bflag:$0x0] =	sbarrier.arrive $0xFFFF  }
0xa3: {  	s8 =	sld [smem:$0x7EF];
	_ =	sdelay $0x1  }
0xa4: {  	s13 =	simm.s32 $0x0;
	s30 =	simm.s32 $0x200;
	s16 =	sld [smem:$0x7F0]  }
0xa5: {  	[tilespmem:s30], [sflag:$0x9] =	stream.linear.gather [hbm4b:s8+s13], $0x50, $0x38;
	[tilespmem:$0x1E080] =	vst v63  }
0xa6: {  	s1 =	simm.s32 $0x600  }
0xa7: {  	[tilespmem:s1], [sflag:$0x9] =	stream.linear.gather [hbm4b:s16+s13], $0x50, $0x38;
	[tilespmem:$0x1E080] =	vst v63  }
0xa8: {  	_ =	swait.ge [sflag:s18], $0x50  }
0xa9: {  	[sflag:s18] =	ssyncset.done $0x0  }
0xaa: {  	[sflag:s18] =	ssyncadd.s32 $0xFFFFFFB0  }
0xab: {  	_ =	swait.ge [sflag:s18], $0x50  }
0xac: {  	[sflag:s18] =	ssyncset.done $0x0  }
0xad: {  	[sflag:s18] =	ssyncadd.s32 $0xFFFFFFB0  }
0xae: {  	[tilespmem:s26], [sflag:$0x3] =	stream.indirect.gather [hbm4b:s5+s7], $0x80, s31, s7, $0xb8;
	[tilespmem:$0x1E080] =	vst v63  }
0xaf: {  	_ =	swait.ge [sflag:s19], $0x2800  }
0xb0: {  	s15 =	simm.s32 $0x800;
	[sflag:s19] =	ssyncset.done $0x0  }
0xb1: {  	s11 =	simm.s32 $0x400;
	s31 =	sld [smem:$0x7F1];
	[sflag:s19] =	ssyncadd.s32 $0xFFFFD800  }
0xb2: {  	[spmem:s23] =	stream.indirect.scatter.add.f32 [tilespmem:s15], [sflag:$0xD], $0x80, s11, s7, $0xb8;
	[tilespmem:$0x1E080] =	vst v63  }
0xb3: {  	s16 =	simm.s32 $0x280;
	s1 =	sld [smem:$0x7F2]  }
0xb4: {  	[tilespmem:s16], [sflag:$0xA] =	stream.linear.gather [hbm4b:s31+s13], $0x50, $0x38;
	[tilespmem:$0x1E080] =	vst v63  }
0xb5: {  	s18 =	simm.s32 $0x680  }
0xb6: {  	[tilespmem:s18], [sflag:$0xA] =	stream.linear.gather [hbm4b:s1+s13], $0x50, $0x38;
	[tilespmem:$0x1E080] =	vst v63  }
0xb7: {  	_ =	swait.ge [sflag:s22], $0x50  }
0xb8: {  	[sflag:s22] =	ssyncset.done $0x0  }
0xb9: {  	[sflag:s22] =	ssyncadd.s32 $0xFFFFFFB0  }
0xba: {  	_ =	swait.ge [sflag:s22], $0x50  }
0xbb: {  	[sflag:s22] =	ssyncset.done $0x0  }
0xbc: {  	s31 =	simm.s32 $0x180;
	s1 =	simm.s32 $0x8000;
	[sflag:s22] =	ssyncadd.s32 $0xFFFFFFB0  }
0xbd: {  	[tilespmem:s1], [sflag:$0x4] =	stream.indirect.gather [hbm4b:s5+s7], $0x80, s31, s7, $0xb8;
	[tilespmem:$0x1E080] =	vst v63  }
0xbe: {  	_ =	swait.ge [sflag:s17], $0x2800  }
0xbf: {  	[sflag:s17] =	ssyncset.done $0x0  }
0xc0: {  	[sflag:s17] =	ssyncadd.s32 $0xFFFFD800  }
0xc1: {  	[spmem:s23] =	stream.indirect.scatter.add.f32 [tilespmem:s25], [sflag:$0xE], $0x80, s0, s7, $0xb8;
	[tilespmem:$0x1E080] =	vst v63  }
0xc2: {  	_ =	swait.ge [sflag:s12], $0x2800  }
0xc3: {  	s8 =	rddreg [dreg:$0x13];
	[sflag:s12] =	ssyncset.done $0x0  }
0xc4: {  	s14 =	rddreg [dreg:$0x12];
	[sflag:s12] =	ssyncadd.s32 $0xFFFFD800;
	s13 =	sadd.s32 $0x0, s8  }
0xc5: {  	[tilespmem:s28], [sflag:$0xB] =	stream.linear.gather [hbm4b:s13+s6], $0x50, $0x38;
	[tilespmem:$0x1E080] =	vst v63  }
0xc6: {  	s8 =	sadd.s32 $0x0, s14  }
0xc7: {  	[tilespmem:s9], [sflag:$0xB] =	stream.linear.gather [hbm4b:s8+s6], $0x50, $0x38;
	[tilespmem:$0x1E080] =	vst v63  }
0xc8: {  	_ =	swait.ge [sflag:s2], $0x50  }
0xc9: {  	[sflag:s2] =	ssyncset.done $0x0  }
0xca: {  	[sflag:s2] =	ssyncadd.s32 $0xFFFFFFB0  }
0xcb: {  	_ =	swait.ge [sflag:s2], $0x50  }
0xcc: {  	[sflag:s2] =	ssyncset.done $0x0  }
0xcd: {  	[sflag:s2] =	ssyncadd.s32 $0xFFFFFFB0  }
0xce: {  	[tilespmem:s15], [sflag:$0x1] =	stream.indirect.gather [hbm4b:s5+s7], $0x80, s30, s7, $0xb8;
	[tilespmem:$0x1E080] =	vst v63  }
0xcf: {  	_ =	swait.ge [sflag:s3], $0x2800  }
0xd0: {  	[sflag:s3] =	ssyncset.done $0x0  }
0xd1: {  	s9 =	simm.s32 $0x500;
	[sflag:s3] =	ssyncadd.s32 $0xFFFFD800  }
0xd2: {  	[spmem:s23] =	stream.indirect.scatter.add.f32 [tilespmem:s26], [sflag:$0xF], $0x80, s9, s7, $0xb8;
	[tilespmem:$0x1E080] =	vst v63  }
0xd3: {  	_ =	swait.ge [sflag:s24], $0x2800  }
0xd4: {  	s14 =	rddreg [dreg:$0x11];
	[sflag:s24] =	ssyncset.done $0x0  }
0xd5: {  	s2 =	rddreg [dreg:$0x10];
	[sflag:s24] =	ssyncadd.s32 $0xFFFFD800;
	s13 =	sadd.s32 $0x0, s14  }
0xd6: {  	[tilespmem:s4], [sflag:$0xC] =	stream.linear.gather [hbm4b:s13+s6], $0x50, $0x38;
	[tilespmem:$0x1E080] =	vst v63  }
0xd7: {  	s8 =	sadd.s32 $0x0, s2;
	s14 =	simm.s32 $0xA  }
0xd8: {  	[tilespmem:s29], [sflag:$0xC] =	stream.linear.gather [hbm4b:s8+s6], $0x50, $0x38;
	[tilespmem:$0x1E080] =	vst v63  }
0xd9: {  	_ =	swait.ge [sflag:s14], $0x50  }
0xda: {  	[sflag:s14] =	ssyncset.done $0x0  }
0xdb: {  	[sflag:s14] =	ssyncadd.s32 $0xFFFFFFB0  }
0xdc: {  	_ =	swait.ge [sflag:s14], $0x50  }
0xdd: {  	[sflag:s14] =	ssyncset.done $0x0  }
0xde: {  	[sflag:s14] =	ssyncadd.s32 $0xFFFFFFB0  }
0xdf: {  	[tilespmem:s25], [sflag:$0x2] =	stream.indirect.gather [hbm4b:s5+s7], $0x80, s16, s7, $0xb8;
	[tilespmem:$0x1E080] =	vst v63  }
0xe0: {  	s16 =	simm.s32 $0x4  }
0xe1: {  	_ =	swait.ge [sflag:s16], $0x2800  }
0xe2: {  	[sflag:s16] =	ssyncset.done $0x0  }
0xe3: {  	s2 =	simm.s32 $0x580;
	s4 =	simm.s32 $0xF;
	[sflag:s16] =	ssyncadd.s32 $0xFFFFD800  }
0xe4: {  	[spmem:s23] =	stream.indirect.scatter.add.f32 [tilespmem:s1], [sflag:$0x10], $0x80, s2, s7, $0xb8;
	[tilespmem:$0x1E080] =	vst v63  }
0xe5: {  	_ =	swait.ge [sflag:s4], $0x2800  }
0xe6: {  	s8 =	sld [smem:$0x7F5];
	_ =	sdelay $0x2  }
0xe7: {  	[sflag:s4] =	ssyncset.done $0x0;
	s13 =	sshrl.u32 s8, $0x3  }
0xe8: {  	[sflag:s4] =	ssyncadd.s32 $0xFFFFD800;
	s29 =	sadd.s32 s20, s13  }
0xe9: {  	[tilespmem:s6], [sflag:$0x5] =	stream.linear.gather [hbm4b:s29+s6], $0x50, $0x38;
	[tilespmem:$0x1E080] =	vst v63  }
0xea: {  	s14 =	simm.s32 $0xB;
	s13 =	sadd.s32 s21, s13  }
0xeb: {  	[tilespmem:s11], [sflag:$0x5] =	stream.linear.gather [hbm4b:s13+s6], $0x50, $0x38;
	[tilespmem:$0x1E080] =	vst v63  }
0xec: {  	_ =	swait.ge [sflag:s14], $0x50  }
0xed: {  	[sflag:s14] =	ssyncset.done $0x0  }
0xee: {  	[sflag:s14] =	ssyncadd.s32 $0xFFFFFFB0  }
0xef: {  	_ =	swait.ge [sflag:s14], $0x50  }
0xf0: {  	[sflag:s14] =	ssyncset.done $0x0  }
0xf1: {  	[sflag:s14] =	ssyncadd.s32 $0xFFFFFFB0  }
0xf2: {  	[tilespmem:s26], [sflag:$0x3] =	stream.indirect.gather [hbm4b:s5+s7], $0x80, s28, s7, $0xb8;
	[tilespmem:$0x1E080] =	vst v63  }
0xf3: {  	_ =	swait.ge [sflag:s19], $0x2800  }
0xf4: {  	[sflag:s19] =	ssyncset.done $0x0  }
0xf5: {  	s28 =	simm.s32 $0x10;
	[sflag:s19] =	ssyncadd.s32 $0xFFFFD800;
	s19 =	simm.s32 $0x600  }
0xf6: {  	[spmem:s23] =	stream.indirect.scatter.add.f32 [tilespmem:s15], [sflag:$0xD], $0x80, s19, s7, $0xb8;
	[tilespmem:$0x1E080] =	vst v63  }
0xf7: {  	_ =	swait.ge [sflag:s28], $0x2800  }
0xf8: {  	s13 =	rddreg [dreg:$0x7];
	[sflag:s28] =	ssyncset.done $0x0  }
0xf9: {  	s14 =	rddreg [dreg:$0x6];
	[sflag:s28] =	ssyncadd.s32 $0xFFFFD800;
	s13 =	sadd.s32 $0x0, s13  }
0xfa: {  	[tilespmem:s10], [sflag:$0x6] =	stream.linear.gather [hbm4b:s13+s6], $0x50, $0x38;
	[tilespmem:$0x1E080] =	vst v63  }
0xfb: {  	s14 =	sadd.s32 $0x0, s14  }
0xfc: {  	[tilespmem:s0], [sflag:$0x6] =	stream.linear.gather [hbm4b:s14+s6], $0x50, $0x38;
	[tilespmem:$0x1E080] =	vst v63  }
0xfd: {  	s14 =	simm.s32 $0xC  }
0xfe: {  	_ =	swait.ge [sflag:s14], $0x50  }
0xff: {  	[sflag:s14] =	ssyncset.done $0x0  }
0x100: {  	[sflag:s14] =	ssyncadd.s32 $0xFFFFFFB0  }
0x101: {  	_ =	swait.ge [sflag:s14], $0x50  }
0x102: {  	[sflag:s14] =	ssyncset.done $0x0  }
0x103: {  	s29 =	simm.s32 $0x380;
	[sflag:s14] =	ssyncadd.s32 $0xFFFFFFB0  }
0x104: {  	[tilespmem:s1], [sflag:$0x4] =	stream.indirect.gather [hbm4b:s5+s7], $0x80, s29, s7, $0xb8;
	[tilespmem:$0x1E080] =	vst v63  }
0x105: {  	_ =	swait.ge [sflag:s17], $0x2800  }
0x106: {  	[sflag:s17] =	ssyncset.done $0x0  }
0x107: {  	[sflag:s17] =	ssyncadd.s32 $0xFFFFD800  }
0x108: {  	[spmem:s23] =	stream.indirect.scatter.add.f32 [tilespmem:s25], [sflag:$0xE], $0x80, s18, s7, $0xb8;
	[tilespmem:$0x1E080] =	vst v63  }
0x109: {  	_ =	swait.ge [sflag:s12], $0x2800  }
0x10a: {  	s22 =	simm.s32 $0x100;
	s0 =	rddreg [dreg:$0x9];
	[sflag:s12] =	ssyncset.done $0x0  }
0x10b: {  	s1 =	rddreg [dreg:$0x8];
	[sflag:s12] =	ssyncadd.s32 $0xFFFFD800;
	s13 =	sadd.s32 $0x0, s0  }
0x10c: {  	[tilespmem:s22], [sflag:$0x7] =	stream.linear.gather [hbm4b:s13+s6], $0x50, $0x38;
	[tilespmem:$0x1E080] =	vst v63  }
0x10d: {  	s29 =	simm.s32 $0x5;
	s17 =	sadd.s32 $0x0, s1  }
0x10e: {  	[tilespmem:s9], [sflag:$0x7] =	stream.linear.gather [hbm4b:s17+s6], $0x50, $0x38;
	[tilespmem:$0x1E080] =	vst v63  }
0x10f: {  	_ =	swait.ge [sflag:s29], $0x50  }
0x110: {  	[sflag:s29] =	ssyncset.done $0x0  }
0x111: {  	[sflag:s29] =	ssyncadd.s32 $0xFFFFFFB0  }
0x112: {  	_ =	swait.ge [sflag:s29], $0x50  }
0x113: {  	[sflag:s29] =	ssyncset.done $0x0  }
0x114: {  	[sflag:s29] =	ssyncadd.s32 $0xFFFFFFB0  }
0x115: {  	[tilespmem:s15], [sflag:$0x1] =	stream.indirect.gather [hbm4b:s5+s7], $0x80, s6, s7, $0xb8;
	[tilespmem:$0x1E080] =	vst v63  }
0x116: {  	_ =	swait.ge [sflag:s3], $0x2800  }
0x117: {  	[sflag:s3] =	ssyncset.done $0x0  }
0x118: {  	s18 =	simm.s32 $0x700;
	[sflag:s3] =	ssyncadd.s32 $0xFFFFD800  }
0x119: {  	[spmem:s23] =	stream.indirect.scatter.add.f32 [tilespmem:s26], [sflag:$0xF], $0x80, s18, s7, $0xb8;
	[tilespmem:$0x1E080] =	vst v63  }
0x11a: {  	_ =	swait.ge [sflag:s24], $0x2800  }
0x11b: {  	s9 =	rddreg [dreg:$0xb];
	[sflag:s24] =	ssyncset.done $0x0  }
0x11c: {  	s12 =	rddreg [dreg:$0xa];
	[sflag:s24] =	ssyncadd.s32 $0xFFFFD800;
	s13 =	sadd.s32 $0x0, s9  }
0x11d: {  	[tilespmem:s31], [sflag:$0x8] =	stream.linear.gather [hbm4b:s13+s6], $0x50, $0x38;
	[tilespmem:$0x1E080] =	vst v63  }
0x11e: {  	s17 =	simm.s32 $0x6;
	s14 =	sadd.s32 $0x0, s12  }
0x11f: {  	[tilespmem:s2], [sflag:$0x8] =	stream.linear.gather [hbm4b:s14+s6], $0x50, $0x38;
	[tilespmem:$0x1E080] =	vst v63  }
0x120: {  	_ =	swait.ge [sflag:s17], $0x50  }
0x121: {  	[sflag:s17] =	ssyncset.done $0x0  }
0x122: {  	[sflag:s17] =	ssyncadd.s32 $0xFFFFFFB0  }
0x123: {  	_ =	swait.ge [sflag:s17], $0x50  }
0x124: {  	[sflag:s17] =	ssyncset.done $0x0  }
0x125: {  	[sflag:s17] =	ssyncadd.s32 $0xFFFFFFB0  }
0x126: {  	[tilespmem:s25], [sflag:$0x2] =	stream.indirect.gather [hbm4b:s5+s7], $0x80, s10, s7, $0xb8;
	[tilespmem:$0x1E080] =	vst v63  }
0x127: {  	_ =	swait.ge [sflag:s16], $0x2800  }
0x128: {  	[sflag:s16] =	ssyncset.done $0x0  }
0x129: {  	s1 =	simm.s32 $0x8000;
	s18 =	simm.s32 $0x780;
	[sflag:s16] =	ssyncadd.s32 $0xFFFFD800  }
0x12a: {  	[spmem:s23] =	stream.indirect.scatter.add.f32 [tilespmem:s1], [sflag:$0x10], $0x80, s18, s7, $0xb8;
	[tilespmem:$0x1E080] =	vst v63  }
0x12b: {  	_ =	swait.ge [sflag:s4], $0x2800  }
0x12c: {  	s24 =	rddreg [dreg:$0xd];
	[sflag:s4] =	ssyncset.done $0x0  }
0x12d: {  	s29 =	rddreg [dreg:$0xc];
	[sflag:s4] =	ssyncadd.s32 $0xFFFFD800;
	s13 =	sadd.s32 $0x0, s24  }
0x12e: {  	[tilespmem:s30], [sflag:$0x9] =	stream.linear.gather [hbm4b:s13+s6], $0x50, $0x38;
	[tilespmem:$0x1E080] =	vst v63  }
0x12f: {  	s15 =	simm.s32 $0x7;
	s30 =	sadd.s32 $0x0, s29  }
0x130: {  	[tilespmem:s19], [sflag:$0x9] =	stream.linear.gather [hbm4b:s30+s6], $0x50, $0x38;
	[tilespmem:$0x1E080] =	vst v63  }
0x131: {  	_ =	swait.ge [sflag:s15], $0x50  }
0x132: {  	[sflag:s15] =	ssyncset.done $0x0  }
0x133: {  	[sflag:s15] =	ssyncadd.s32 $0xFFFFFFB0  }
0x134: {  	_ =	swait.ge [sflag:s15], $0x50  }
0x135: {  	[sflag:s15] =	ssyncset.done $0x0  }
0x136: {  	s0 =	simm.s32 $0x1;
	[sflag:s15] =	ssyncadd.s32 $0xFFFFFFB0  }
0x137: {  	[tilespmem:s26], [sflag:$0x3] =	stream.indirect.gather [hbm4b:s5+s7], $0x80, s22, s7, $0xb8;
	[tilespmem:$0x1E080] =	vst v63  }
0x138: {  	_ =	swait.ge [sflag:s0], $0x2800  }
0x139: {  	[sflag:s0] =	ssyncset.done $0x0  }
0x13a: {  	p2 =	por $0x0, $0x0;
	s10 =	simm.s32 $0x800;
	[sflag:s0] =	ssyncadd.s32 $0xFFFFD800  }
0x13b: {  	[spmem:s23] =	stream.indirect.scatter.add.f32 [tilespmem:s10], [sflag:$0xD], $0x80, s11, s7, $0xb8;
	[tilespmem:$0x1E080] =	vst v63  }
0x13c: {  	s26 =	simm.s32 @!p2 $0x280;
	_ =	swait.ge [sflag:s28], $0x2800  }
0x13d: {  	s0 =	simm.s32 @!p2 $0x0;
	s13 =	rddreg [dreg:$0xf];
	[sflag:s28] =	ssyncset.done $0x0  }
0x13e: {  	s14 =	rddreg [dreg:$0xe];
	[sflag:s28] =	ssyncadd.s32 $0xFFFFD800;
	s13 =	sadd.s32 @!p2 $0x0, s13  }
0x13f: {  	[tilespmem:s26], [sflag:$0xA] =	stream.linear.gather @!p2 [hbm4b:s13+s0], $0x50, $0x38;
	[tilespmem:$0x1E080] =	vst v63  }
0x140: {  	s9 =	simm.s32 $0x8;
	s14 =	sadd.s32 @!p2 $0x0, s14;
	s13 =	simm.s32 @!p2 $0x680  }
0x141: {  	[tilespmem:s13], [sflag:$0xA] =	stream.linear.gather @!p2 [hbm4b:s14+s0], $0x50, $0x38;
	[tilespmem:$0x1E080] =	vst v63  }
0x142: {  	_ =	swait.ge [sflag:s9], $0x50  }
0x143: {  	[sflag:s9] =	ssyncset.done $0x0  }
0x144: {  	[sflag:s9] =	ssyncadd.s32 $0xFFFFFFB0  }
0x145: {  	_ =	swait.ge [sflag:s9], $0x50  }
0x146: {  	[sflag:s9] =	ssyncset.done $0x0  }
0x147: {  	s2 =	simm.s32 $0x2;
	[sflag:s9] =	ssyncadd.s32 $0xFFFFFFB0  }
0x148: {  	[tilespmem:s1], [sflag:$0x4] =	stream.indirect.gather [hbm4b:s5+s7], $0x80, s31, s7, $0xb8;
	[tilespmem:$0x1E080] =	vst v63  }
0x149: {  	_ =	swait.ge [sflag:s2], $0x2800  }
0x14a: {  	s26 =	simm.s32 $0x50;
	s13 =	smov.u32 s8;
	[sflag:s2] =	ssyncset.done $0x0  }
.LBB2_7:
0x14b: {  	s3 =	simm.s32 $0x2  }
0x14c: {  	s22 =	simm.s32 $0x480;
	s29 =	simm.s32 $0xD;
	[sflag:s3] =	ssyncadd.s32 $0xFFFFD800  }
0x14d: {  	[spmem:s23] =	stream.indirect.scatter.add.f32 [tilespmem:s25], [sflag:$0xE], $0x80, s22, s7, $0xb8;
	[tilespmem:$0x1E080] =	vst v63  }
0x14e: {  	s14 =	smov.u32 s26;
	_ =	swait.ge [sflag:s29], $0x2800  }
0x14f: {  	s28 =	simm.s32 $0x300;
	s12 =	rddreg [dreg:$0x13];
	[sflag:s29] =	ssyncset.done $0x0  }
0x150: {  	s15 =	rddreg [dreg:$0x12];
	[sflag:s29] =	ssyncadd.s32 $0xFFFFD800;
	s25 =	sadd.s32 s14, s12  }
0x151: {  	[tilespmem:s28], [sflag:$0xB] =	stream.linear.gather [hbm4b:s25+s6], $0x50, $0x38;
	[tilespmem:$0x1E080] =	vst v63  }
0x152: {  	s31 =	simm.s32 $0x700;
	s0 =	simm.s32 $0x9;
	s15 =	sadd.s32 s14, s15  }
0x153: {  	[tilespmem:s31], [sflag:$0xB] =	stream.linear.gather [hbm4b:s15+s6], $0x50, $0x38;
	[tilespmem:$0x1E080] =	vst v63  }
0x154: {  	_ =	swait.ge [sflag:s0], $0x50  }
0x155: {  	[sflag:s0] =	ssyncset.done $0x0  }
0x156: {  	[sflag:s0] =	ssyncadd.s32 $0xFFFFFFB0  }
0x157: {  	_ =	swait.ge [sflag:s0], $0x50  }
0x158: {  	[sflag:s0] =	ssyncset.done $0x0  }
0x159: {  	s17 =	simm.s32 $0x3;
	s15 =	simm.s32 $0x200;
	[sflag:s0] =	ssyncadd.s32 $0xFFFFFFB0  }
0x15a: {  	[tilespmem:s10], [sflag:$0x1] =	stream.indirect.gather [hbm4b:s5+s7], $0x80, s15, s7, $0xb8;
	[tilespmem:$0x1E080] =	vst v63  }
0x15b: {  	_ =	swait.ge [sflag:s17], $0x2800  }
0x15c: {  	s19 =	simm.s32 $0x500;
	[sflag:s17] =	ssyncset.done $0x0  }
0x15d: {  	s9 =	simm.s32 $0x5800;
	s2 =	simm.s32 $0xE;
	[sflag:s17] =	ssyncadd.s32 $0xFFFFD800  }
0x15e: {  	[spmem:s23] =	stream.indirect.scatter.add.f32 [tilespmem:s9], [sflag:$0xF], $0x80, s19, s7, $0xb8;
	[tilespmem:$0x1E080] =	vst v63  }
0x15f: {  	_ =	swait.ge [sflag:s2], $0x2800  }
0x160: {  	s12 =	simm.s32 $0x380;
	s16 =	rddreg [dreg:$0x11];
	[sflag:s2] =	ssyncset.done $0x0  }
0x161: {  	s18 =	rddreg [dreg:$0x10];
	[sflag:s2] =	ssyncadd.s32 $0xFFFFD800;
	s15 =	sadd.s32 s14, s16  }
0x162: {  	[tilespmem:s12], [sflag:$0xC] =	stream.linear.gather [hbm4b:s15+s6], $0x50, $0x38;
	[tilespmem:$0x1E080] =	vst v63  }
0x163: {  	s30 =	simm.s32 $0xA;
	s25 =	simm.s32 $0x780;
	s24 =	sadd.s32 s14, s18  }
0x164: {  	[tilespmem:s25], [sflag:$0xC] =	stream.linear.gather [hbm4b:s24+s6], $0x50, $0x38;
	[tilespmem:$0x1E080] =	vst v63  }
0x165: {  	_ =	swait.ge [sflag:s30], $0x50  }
0x166: {  	[sflag:s30] =	ssyncset.done $0x0  }
0x167: {  	[sflag:s30] =	ssyncadd.s32 $0xFFFFFFB0  }
0x168: {  	_ =	swait.ge [sflag:s30], $0x50  }
0x169: {  	s8 =	simm.s32 $0x3000;
	[sflag:s30] =	ssyncset.done $0x0  }
0x16a: {  	s4 =	simm.s32 $0x280;
	s16 =	simm.s32 $0x4;
	[sflag:s30] =	ssyncadd.s32 $0xFFFFFFB0  }
0x16b: {  	[tilespmem:s8], [sflag:$0x2] =	stream.indirect.gather [hbm4b:s5+s7], $0x80, s4, s7, $0xb8;
	[tilespmem:$0x1E080] =	vst v63  }
0x16c: {  	_ =	swait.ge [sflag:s16], $0x2800  }
0x16d: {  	s1 =	simm.s32 $0x8000;
	[sflag:s16] =	ssyncset.done $0x0  }
0x16e: {  	s0 =	simm.s32 $0x580;
	s4 =	simm.s32 $0xF;
	[sflag:s16] =	ssyncadd.s32 $0xFFFFD800  }
0x16f: {  	[spmem:s23] =	stream.indirect.scatter.add.f32 [tilespmem:s1], [sflag:$0x10], $0x80, s0, s7, $0xb8;
	[tilespmem:$0x1E080] =	vst v63  }
0x170: {  	s13 =	sadd.s32 $0x280, s13;
	_ =	swait.ge [sflag:s4], $0x2800  }
0x171: {  	s11 =	sshrl.u32 s13, $0x3;
	[sflag:s4] =	ssyncset.done $0x0  }
0x172: {  	s18 =	sadd.s32 s20, s11;
	[sflag:s4] =	ssyncadd.s32 $0xFFFFD800  }
0x173: {  	[tilespmem:s6], [sflag:$0x5] =	stream.linear.gather [hbm4b:s18+s6], $0x50, $0x38;
	[tilespmem:$0x1E080] =	vst v63  }
0x174: {  	s15 =	sadd.s32 s21, s11;
	s11 =	simm.s32 $0x400;
	s24 =	simm.s32 $0xB  }
0x175: {  	[tilespmem:s11], [sflag:$0x5] =	stream.linear.gather [hbm4b:s15+s6], $0x50, $0x38;
	[tilespmem:$0x1E080] =	vst v63  }
0x176: {  	_ =	swait.ge [sflag:s24], $0x50  }
0x177: {  	[sflag:s24] =	ssyncset.done $0x0  }
0x178: {  	[sflag:s24] =	ssyncadd.s32 $0xFFFFFFB0  }
0x179: {  	_ =	swait.ge [sflag:s24], $0x50  }
0x17a: {  	[sflag:s24] =	ssyncset.done $0x0  }
0x17b: {  	[sflag:s24] =	ssyncadd.s32 $0xFFFFFFB0  }
0x17c: {  	[tilespmem:s9], [sflag:$0x3] =	stream.indirect.gather [hbm4b:s5+s7], $0x80, s28, s7, $0xb8;
	[tilespmem:$0x1E080] =	vst v63  }
0x17d: {  	s28 =	simm.s32 $0x1  }
0x17e: {  	_ =	swait.ge [sflag:s28], $0x2800  }
0x17f: {  	[sflag:s28] =	ssyncset.done $0x0  }
0x180: {  	s30 =	simm.s32 $0x600;
	s11 =	simm.s32 $0x10;
	[sflag:s28] =	ssyncadd.s32 $0xFFFFD800  }
0x181: {  	[spmem:s23] =	stream.indirect.scatter.add.f32 [tilespmem:s10], [sflag:$0xD], $0x80, s30, s7, $0xb8;
	[tilespmem:$0x1E080] =	vst v63  }
0x182: {  	_ =	swait.ge [sflag:s11], $0x2800  }
0x183: {  	s24 =	simm.s32 $0x80;
	s25 =	rddreg [dreg:$0x7];
	[sflag:s11] =	ssyncset.done $0x0  }
0x184: {  	s18 =	rddreg [dreg:$0x6];
	[sflag:s11] =	ssyncadd.s32 $0xFFFFD800;
	s15 =	sadd.s32 s14, s25  }
0x185: {  	[tilespmem:s24], [sflag:$0x6] =	stream.linear.gather [hbm4b:s15+s6], $0x50, $0x38;
	[tilespmem:$0x1E080] =	vst v63  }
0x186: {  	s18 =	sadd.s32 s14, s18;
	s25 =	simm.s32 $0xC  }
0x187: {  	[tilespmem:s22], [sflag:$0x6] =	stream.linear.gather [hbm4b:s18+s6], $0x50, $0x38;
	[tilespmem:$0x1E080] =	vst v63  }
0x188: {  	_ =	swait.ge [sflag:s25], $0x50  }
0x189: {  	[sflag:s25] =	ssyncset.done $0x0  }
0x18a: {  	[sflag:s25] =	ssyncadd.s32 $0xFFFFFFB0  }
0x18b: {  	_ =	swait.ge [sflag:s25], $0x50  }
0x18c: {  	[sflag:s25] =	ssyncset.done $0x0  }
0x18d: {  	[sflag:s25] =	ssyncadd.s32 $0xFFFFFFB0  }
0x18e: {  	[tilespmem:s1], [sflag:$0x4] =	stream.indirect.gather [hbm4b:s5+s7], $0x80, s12, s7, $0xb8;
	[tilespmem:$0x1E080] =	vst v63  }
0x18f: {  	_ =	swait.ge [sflag:s3], $0x2800  }
0x190: {  	[sflag:s3] =	ssyncset.done $0x0  }
0x191: {  	s12 =	simm.s32 $0x680;
	[sflag:s3] =	ssyncadd.s32 $0xFFFFD800  }
0x192: {  	[spmem:s23] =	stream.indirect.scatter.add.f32 [tilespmem:s8], [sflag:$0xE], $0x80, s12, s7, $0xb8;
	[tilespmem:$0x1E080] =	vst v63  }
0x193: {  	_ =	swait.ge [sflag:s29], $0x2800  }
0x194: {  	s18 =	rddreg [dreg:$0x9]  }
0x195: {  	[sflag:s29] =	ssyncset.done $0x0;
	s22 =	rddreg [dreg:$0x8]  }
0x196: {  	[sflag:s29] =	ssyncadd.s32 $0xFFFFD800;
	s15 =	sadd.s32 s14, s18;
	s18 =	simm.s32 $0x100  }
0x197: {  	[tilespmem:s18], [sflag:$0x7] =	stream.linear.gather [hbm4b:s15+s6], $0x50, $0x38;
	[tilespmem:$0x1E080] =	vst v63  }
0x198: {  	s12 =	sadd.s32 s14, s22;
	s15 =	simm.s32 $0x5  }
0x199: {  	[tilespmem:s19], [sflag:$0x7] =	stream.linear.gather [hbm4b:s12+s6], $0x50, $0x38;
	[tilespmem:$0x1E080] =	vst v63  }
0x19a: {  	_ =	swait.ge [sflag:s15], $0x50  }
0x19b: {  	[sflag:s15] =	ssyncset.done $0x0  }
0x19c: {  	[sflag:s15] =	ssyncadd.s32 $0xFFFFFFB0  }
0x19d: {  	_ =	swait.ge [sflag:s15], $0x50  }
0x19e: {  	[sflag:s15] =	ssyncset.done $0x0  }
0x19f: {  	[sflag:s15] =	ssyncadd.s32 $0xFFFFFFB0  }
0x1a0: {  	[tilespmem:s10], [sflag:$0x1] =	stream.indirect.gather [hbm4b:s5+s7], $0x80, s6, s7, $0xb8;
	[tilespmem:$0x1E080] =	vst v63  }
0x1a1: {  	_ =	swait.ge [sflag:s17], $0x2800  }
0x1a2: {  	[sflag:s17] =	ssyncset.done $0x0  }
0x1a3: {  	[sflag:s17] =	ssyncadd.s32 $0xFFFFD800  }
0x1a4: {  	[spmem:s23] =	stream.indirect.scatter.add.f32 [tilespmem:s9], [sflag:$0xF], $0x80, s31, s7, $0xb8;
	[tilespmem:$0x1E080] =	vst v63  }
0x1a5: {  	_ =	swait.ge [sflag:s2], $0x2800  }
0x1a6: {  	s29 =	simm.s32 $0x180;
	s17 =	rddreg [dreg:$0xb];
	[sflag:s2] =	ssyncset.done $0x0  }
0x1a7: {  	s19 =	rddreg [dreg:$0xa];
	[sflag:s2] =	ssyncadd.s32 $0xFFFFD800;
	s15 =	sadd.s32 s14, s17  }
0x1a8: {  	[tilespmem:s29], [sflag:$0x8] =	stream.linear.gather [hbm4b:s15+s6], $0x50, $0x38;
	[tilespmem:$0x1E080] =	vst v63  }
0x1a9: {  	s25 =	sadd.s32 s14, s19;
	s2 =	simm.s32 $0x6  }
0x1aa: {  	[tilespmem:s0], [sflag:$0x8] =	stream.linear.gather [hbm4b:s25+s6], $0x50, $0x38;
	[tilespmem:$0x1E080] =	vst v63  }
0x1ab: {  	_ =	swait.ge [sflag:s2], $0x50  }
0x1ac: {  	[sflag:s2] =	ssyncset.done $0x0  }
0x1ad: {  	[sflag:s2] =	ssyncadd.s32 $0xFFFFFFB0  }
0x1ae: {  	_ =	swait.ge [sflag:s2], $0x50  }
0x1af: {  	[sflag:s2] =	ssyncset.done $0x0  }
0x1b0: {  	[sflag:s2] =	ssyncadd.s32 $0xFFFFFFB0  }
0x1b1: {  	[tilespmem:s8], [sflag:$0x2] =	stream.indirect.gather [hbm4b:s5+s7], $0x80, s24, s7, $0xb8;
	[tilespmem:$0x1E080] =	vst v63  }
0x1b2: {  	_ =	swait.ge [sflag:s16], $0x2800  }
0x1b3: {  	[sflag:s16] =	ssyncset.done $0x0  }
0x1b4: {  	s15 =	simm.s32 $0x780;
	[sflag:s16] =	ssyncadd.s32 $0xFFFFD800  }
0x1b5: {  	[spmem:s23] =	stream.indirect.scatter.add.f32 [tilespmem:s1], [sflag:$0x10], $0x80, s15, s7, $0xb8;
	[tilespmem:$0x1E080] =	vst v63  }
0x1b6: {  	_ =	swait.ge [sflag:s4], $0x2800  }
0x1b7: {  	s19 =	simm.s32 $0x200;
	s16 =	rddreg [dreg:$0xd];
	[sflag:s4] =	ssyncset.done $0x0  }
0x1b8: {  	s17 =	rddreg [dreg:$0xc];
	[sflag:s4] =	ssyncadd.s32 $0xFFFFD800;
	s15 =	sadd.s32 s14, s16  }
0x1b9: {  	[tilespmem:s19], [sflag:$0x9] =	stream.linear.gather [hbm4b:s15+s6], $0x50, $0x38;
	[tilespmem:$0x1E080] =	vst v63  }
0x1ba: {  	s25 =	simm.s32 $0x7;
	s24 =	sadd.s32 s14, s17  }
0x1bb: {  	[tilespmem:s30], [sflag:$0x9] =	stream.linear.gather [hbm4b:s24+s6], $0x50, $0x38;
	[tilespmem:$0x1E080] =	vst v63  }
0x1bc: {  	_ =	swait.ge [sflag:s25], $0x50  }
0x1bd: {  	[sflag:s25] =	ssyncset.done $0x0  }
0x1be: {  	[sflag:s25] =	ssyncadd.s32 $0xFFFFFFB0  }
0x1bf: {  	_ =	swait.ge [sflag:s25], $0x50  }
0x1c0: {  	[sflag:s25] =	ssyncset.done $0x0  }
0x1c1: {  	[sflag:s25] =	ssyncadd.s32 $0xFFFFFFB0  }
0x1c2: {  	[tilespmem:s9], [sflag:$0x3] =	stream.indirect.gather [hbm4b:s5+s7], $0x80, s18, s7, $0xb8;
	[tilespmem:$0x1E080] =	vst v63  }
0x1c3: {  	_ =	swait.ge [sflag:s28], $0x2800  }
0x1c4: {  	[sflag:s28] =	ssyncset.done $0x0  }
0x1c5: {  	[sflag:s28] =	ssyncadd.s32 $0xFFFFD800;
	s28 =	simm.s32 $0x400  }
0x1c6: {  	[spmem:s23] =	stream.indirect.scatter.add.f32 [tilespmem:s10], [sflag:$0xD], $0x80, s28, s7, $0xb8;
	[tilespmem:$0x1E080] =	vst v63  }
0x1c7: {  	_ =	swait.ge [sflag:s11], $0x2800  }
0x1c8: {  	p3 =	seq.s32 s14, $0x460;
	s15 =	rddreg [dreg:$0xf]  }
0x1c9: {  	s10 =	simm.s32 @!p3 $0x0;
	[sflag:s11] =	ssyncset.done $0x0;
	s25 =	rddreg [dreg:$0xe]  }
0x1ca: {  	[sflag:s11] =	ssyncadd.s32 $0xFFFFD800;
	s15 =	sadd.s32 @!p3 s14, s15;
	s11 =	simm.s32 @!p3 $0x280  }
0x1cb: {  	[tilespmem:s11], [sflag:$0xA] =	stream.linear.gather @!p3 [hbm4b:s15+s10], $0x50, $0x38;
	[tilespmem:$0x1E080] =	vst v63  }
0x1cc: {  	s8 =	simm.s32 @!p3 $0x680;
	s30 =	simm.s32 $0x8;
	s14 =	sadd.s32 @!p3 s14, s25  }
0x1cd: {  	[tilespmem:s8], [sflag:$0xA] =	stream.linear.gather @!p3 [hbm4b:s14+s10], $0x50, $0x38;
	[tilespmem:$0x1E080] =	vst v63  }
0x1ce: {  	_ =	swait.ge [sflag:s30], $0x50  }
0x1cf: {  	s26 =	sadd.s32 $0x50, s26;
	[sflag:s30] =	ssyncset.done $0x0  }
0x1d0: {  	p2 =	sne.s32 s26, $0x4B0;
	s22 =	simm.s32 $0x500;
	[sflag:s30] =	ssyncadd.s32 $0xFFFFFFB0  }
0x1d1: {  	s12 =	simm.s32 $0x580;
	s31 =	simm.s32 $0x600;
	_ =	swait.ge [sflag:s30], $0x50  }
.Ltmp3:
0x1d2: {  	s0 =	simm.s32 $0x2;
	[sflag:s30] =	ssyncset.done $0x0;
	(pc) =	sbr.rel @p2 .LBB2_7-.Ltmp3, $4  }
0x1d3: {  	s2 =	simm.s32 $0x5800;
	s1 =	simm.s32 $0x8000;
	[sflag:s30] =	ssyncadd.s32 $0xFFFFFFB0  }
0x1d4: {  	[tilespmem:s1], [sflag:$0x4] =	stream.indirect.gather [hbm4b:s5+s7], $0x80, s29, s7, $0xb8;
	[tilespmem:$0x1E080] =	vst v63  }
0x1d5: {  	s16 =	simm.s32 $0x200;
	s25 =	simm.s32 $0x3000;
	_ =	swait.ge [sflag:s3], $0x2800  }
0x1d6: {  	s11 =	simm.s32 $0x400;
	s10 =	simm.s32 $0x800;
	[sflag:s3] =	ssyncset.done $0x0  }
0x1d7: {  	[sflag:s0] =	ssyncadd.s32 $0xFFFFD800;
	s4 =	simm.s32 $0x480  }
0x1d8: {  	[spmem:s23] =	stream.indirect.scatter.add.f32 [tilespmem:s25], [sflag:$0xE], $0x80, s4, s7, $0xb8;
	[tilespmem:$0x1E080] =	vst v63  }
0x1d9: {  	s4 =	simm.s32 $0xD  }
0x1da: {  	_ =	swait.ge [sflag:s4], $0x2800  }
0x1db: {  	[sflag:s4] =	ssyncset.done $0x0  }
0x1dc: {  	s8 =	simm.s32 $0x9;
	[sflag:s4] =	ssyncadd.s32 $0xFFFFD800  }
0x1dd: {  	_ =	swait.ge [sflag:s8], $0x50  }
0x1de: {  	[sflag:s8] =	ssyncset.done $0x0  }
0x1df: {  	[sflag:s8] =	ssyncadd.s32 $0xFFFFFFB0  }
0x1e0: {  	_ =	swait.ge [sflag:s8], $0x50  }
0x1e1: {  	[sflag:s8] =	ssyncset.done $0x0  }
0x1e2: {  	s9 =	simm.s32 $0x3;
	[sflag:s8] =	ssyncadd.s32 $0xFFFFFFB0  }
0x1e3: {  	[tilespmem:s10], [sflag:$0x1] =	stream.indirect.gather [hbm4b:s5+s7], $0x80, s16, s7, $0xb8;
	[tilespmem:$0x1E080] =	vst v63  }
0x1e4: {  	_ =	swait.ge [sflag:s9], $0x2800  }
0x1e5: {  	[sflag:s9] =	ssyncset.done $0x0  }
0x1e6: {  	s13 =	simm.s32 $0xE;
	[sflag:s9] =	ssyncadd.s32 $0xFFFFD800  }
0x1e7: {  	[spmem:s23] =	stream.indirect.scatter.add.f32 [tilespmem:s2], [sflag:$0xF], $0x80, s22, s7, $0xb8;
	[tilespmem:$0x1E080] =	vst v63  }
0x1e8: {  	_ =	swait.ge [sflag:s13], $0x2800  }
0x1e9: {  	[sflag:s13] =	ssyncset.done $0x0  }
0x1ea: {  	s14 =	simm.s32 $0x4;
	[sflag:s13] =	ssyncadd.s32 $0xFFFFD800  }
0x1eb: {  	_ =	swait.ge [sflag:s14], $0x2800  }
0x1ec: {  	[sflag:s14] =	ssyncset.done $0x0  }
0x1ed: {  	s15 =	simm.s32 $0xF;
	[sflag:s14] =	ssyncadd.s32 $0xFFFFD800  }
0x1ee: {  	[spmem:s23] =	stream.indirect.scatter.add.f32 [tilespmem:s1], [sflag:$0x10], $0x80, s12, s7, $0xb8;
	[tilespmem:$0x1E080] =	vst v63  }
0x1ef: {  	_ =	swait.ge [sflag:s15], $0x2800  }
0x1f0: {  	[sflag:s15] =	ssyncset.done $0x0  }
0x1f1: {  	s16 =	simm.s32 $0x1;
	[sflag:s15] =	ssyncadd.s32 $0xFFFFD800  }
0x1f2: {  	_ =	swait.ge [sflag:s16], $0x2800  }
0x1f3: {  	[sflag:s16] =	ssyncset.done $0x0  }
0x1f4: {  	s17 =	simm.s32 $0x10;
	[sflag:s16] =	ssyncadd.s32 $0xFFFFD800  }
0x1f5: {  	[spmem:s23] =	stream.indirect.scatter.add.f32 [tilespmem:s10], [sflag:$0xD], $0x80, s31, s7, $0xb8;
	[tilespmem:$0x1E080] =	vst v63  }
0x1f6: {  	_ =	swait.ge [sflag:s17], $0x2800  }
0x1f7: {  	[sflag:s17] =	ssyncset.done $0x0  }
0x1f8: {  	[sflag:s17] =	ssyncadd.s32 $0xFFFFD800  }
0x1f9: {  	_ =	swait.ge [sflag:s4], $0x2800  }
0x1fa: {  	[sflag:s4] =	ssyncset.done $0x0  }
0x1fb: {  	[sflag:s4] =	ssyncadd.s32 $0xFFFFD800  }
0x1fc: {  	s8 =	stileid.u32;
	[bflag:$0x0] =	sbarrier.arrive $0xFFFF  }
0x1fd: {  	s19 =	simm.s32 $0x11;
	s8 =	sshll.u32 s8, $0x6;
	s15 =	rddreg [dreg:$0x1c]  }
0x1fe: {  	s8 =	sor.u32 $0x1C11, s8;
	s18 =	rddreg [dreg:$0x1f];
	s13 =	sshrl.u32 s15, $0x3  }
0x1ff: {  	[hbm:s18], [sflag:s8] =	dma.local [spmem:s13], $0x2700  }
0x200: {  	_ =	swait.ge [sflag:s19], $0x2700  }
0x201: {  	s10 =	sld [smem:$0x7F3]  }
0x202: {  	s0 =	sld [smem:$0x7EE]  }
0x203: {  	[sflag:s19] =	ssyncset.done $0x0  }
0x204: {  	[sflag:s19] =	ssyncadd.s32 $0xFFFFD900  }
0x205: {  	[hbm:s10], [sflag:s8] =	dma.local @!p1 [spmem:s0], $0x100  }
0x206: {  	s8 =	simm.s32 @!p1 $0x11  }
0x207: {  	_ =	swait.ge @!p1 [sflag:s8], $0x100  }
0x208: {  	s22 =	sld [smem:$0x7ED]  }
0x209: {  	s26 =	simm.s32 $0x3000;
	s30 =	simm.s32 $0x500;
	s24 =	sld [smem:$0x7F4]  }
0x20a: {  	s3 =	simm.s32 $0x3;
	s28 =	simm.s32 $0x300;
	s29 =	simm.s32 $0x780  }
0x20b: {  	s25 =	simm.s32 $0x800;
	s9 =	simm.s32 $0x6;
	s16 =	sadd.s32 $0x1, s22  }
0x20c: {  	s2 =	simm.s32 $0x9;
	s14 =	simm.s32 $0x580;
	p2 =	sne.s32 s16, s24  }
.Ltmp4:
0x20d: {  	s1 =	simm.s32 $0x5;
	s12 =	simm.s32 $0xD;
	(pc) =	sbr.rel @p2 .LBB2_1-.Ltmp4, $4  }
0x20e: {  	s31 =	simm.s32 $0x100;
	s17 =	simm.s32 $0x2;
	s4 =	simm.s32 $0x380  }
0x20f: {  	s13 =	simm.s32 $0x180;
	s18 =	simm.s32 $0x7;
	s19 =	simm.s32 $0x1  }
0x210: {  	s10 =	simm.s32 $0x80;
	s0 =	simm.s32 $0x480;
	[sflag:s8] =	ssyncset.done @!p1 $0x0  }
0x211: {  	[sflag:s8] =	ssyncadd.s32 @!p1 $0xFFFFFF00;
	s22 =	simm.s32 $0x8;
	s24 =	simm.s32 $0xE  }
0x212: {  	_ =	sfence.sel $0x180000  }
0x213: {  	[bflag:$0x0] =	sbarrier.arrive $0xFFFF  }
0x214: {  	_ =	strace $0x90000047  }
0x215: {  	s0 =	stileid.u32;
	[bflag:$0x2] =	sbarrier.arrive $0xFFFF  }
0x216: {  	p0 =	sne.s32 s0, $0x0;
	s0 =	rddreg [dreg:$0x5]  }
0x217: {  	s0 =	sadd.s32 @!p0 $0x100000, s0  }
0x218: {  	[sflag:s0] =	ssyncadd.tile.s32 @!p0 $0x1;
	_ =	shalt  }
.Lfunc_end2:
_tile_overlayer_lowered:
.L_overlay_start_2:
0x219: {  	(tag) =	ssettag $0x2  }
0x21a: {  	s0 =	rddreg [dreg:$0x0];
	s2 =	stileid.u32  }
0x21b: {  	s1 =	rddreg [dreg:$0x1];
	p0 =	sne.s32 s2, $0x0  }
0x21c: {  	s3 =	rddreg [dreg:$0x2];
	[bflag:$0x3] =	sbarrier.arrive $0xFFFF;
	s2 =	simm.s32 @!p0 $0x1C11  }
0x21d: {  	[timem:s3], [sflag:s2] =	dma.local @!p0 [hbm:s0], s1  }
0x21e: {  	s0 =	simm.s32 @!p0 $0x11  }
0x21f: {  	_ =	swait.ge @!p0 [sflag:s0], s1  }
0x220: {  	s1 =	ssub.s32 @!p0 $0x0, s1;
	[sflag:s0] =	ssyncset.done @!p0 $0x0  }
0x221: {  	[sflag:s0] =	ssyncadd.s32 @!p0 s1  }
0x222: {  	[bflag:$0x3] =	sbarrier.arrive $0xFFFF  }
0x223: {  	_ =	shalt  }

</sc_bundles>
